<compile_context>
chip_gen: v7x
topology: tpu7x:2x2x1
jax: 0.10.2.dev20260603
libtpu: 0.0.44.dev20260713+nightly
codegen_flags: <defaults>
</compile_context>

<pallas_src>
import functools

import jax
import jax.numpy as jnp
from jax import lax
from jax.experimental import pallas as pl
from jax.experimental.pallas import tpu as pltpu
from jax.experimental.pallas import tpu_sc as plsc

_EMBEDDING_DIM = 64
_BATCH = 16384
_MARGIN = 1.0

_NC = 2
_NS = 16
_NW = _NC * _NS
_BPW = _BATCH // _NW
_CHUNK = 128
_NCHUNK = _BPW // _CHUNK
_L = 16
_UNROLL = 4


def _tec_body(pos_hbm, neg_hbm, ent_hbm, rel_hbm, out_hbm,
              ih_v, ir_v, it_v, jh_v, jr_v, jt_v,
              ph0, pr0, pt0, nh0, nr0, nt0,
              ph1, pr1, pt1, nh1, nr1, nt1,
              acc_v, sem0, sem1):
    wid = lax.axis_index("s") * _NC + lax.axis_index("c")
    base = wid * _BPW
    lanes = lax.iota(jnp.int32, _L)
    zero = jnp.zeros((_L,), jnp.float32)

    pltpu.sync_copy(pos_hbm.at[pl.ds(base, _BPW)], ih_v)
    pltpu.sync_copy(pos_hbm.at[pl.ds(_BATCH + base, _BPW)], ir_v)
    pltpu.sync_copy(pos_hbm.at[pl.ds(2 * _BATCH + base, _BPW)], it_v)
    pltpu.sync_copy(neg_hbm.at[pl.ds(base, _BPW)], jh_v)
    pltpu.sync_copy(neg_hbm.at[pl.ds(_BATCH + base, _BPW)], jr_v)
    pltpu.sync_copy(neg_hbm.at[pl.ds(2 * _BATCH + base, _BPW)], jt_v)

    bufsets = ((ph0, pr0, pt0, nh0, nr0, nt0), (ph1, pr1, pt1, nh1, nr1, nt1))
    sems = (sem0, sem1)

    def issue(g, bufs, sem):
        s = pl.ds(g * _CHUNK, _CHUNK)
        return [
            pltpu.async_copy(ent_hbm.at[ih_v.at[s]], bufs[0], sem),
            pltpu.async_copy(rel_hbm.at[ir_v.at[s]], bufs[1], sem),
            pltpu.async_copy(ent_hbm.at[it_v.at[s]], bufs[2], sem),
            pltpu.async_copy(ent_hbm.at[jh_v.at[s]], bufs[3], sem),
            pltpu.async_copy(rel_hbm.at[jr_v.at[s]], bufs[4], sem),
            pltpu.async_copy(ent_hbm.at[jt_v.at[s]], bufs[5], sem),
        ]

    def compute_chunk(bufs, loss_in):
        ph, pr, pt, nh, nr, nt = bufs

        def group(j0, loss_c):
            rows = j0 * _L + lanes

            def dstep(i, carry):
                accs = list(carry)
                d0 = i * _UNROLL
                for k in range(_UNROLL):
                    cols = jnp.bitwise_and(
                        d0 + k + lanes, _EMBEDDING_DIM - 1
                    )
                    hp = plsc.load_gather(ph, [rows, cols])
                    rp = plsc.load_gather(pr, [rows, cols])
                    tp = plsc.load_gather(pt, [rows, cols])
                    hn = plsc.load_gather(nh, [rows, cols])
                    rn = plsc.load_gather(nr, [rows, cols])
                    tn = plsc.load_gather(nt, [rows, cols])
                    accs[k] = accs[k] + jnp.abs(hp + rp - tp)
                    accs[_UNROLL + k] = accs[_UNROLL + k] + jnp.abs(hn + rn - tn)
                return tuple(accs)

            accs = lax.fori_loop(
                0, _EMBEDDING_DIM // _UNROLL, dstep, (zero,) * (2 * _UNROLL)
            )
            pd = (accs[0] + accs[1]) + (accs[2] + accs[3])
            nd = (accs[4] + accs[5]) + (accs[6] + accs[7])
            return loss_c + jnp.maximum(pd - nd + _MARGIN, 0.0)

        return lax.fori_loop(0, _CHUNK // _L, group, loss_in)

    loss = zero
    pend = issue(0, bufsets[0], sems[0])
    for g in range(_NCHUNK):
        for cp in pend:
            cp.wait()
        cur = bufsets[g % 2]
        if g + 1 < _NCHUNK:
            pend = issue(g + 1, bufsets[(g + 1) % 2], sems[(g + 1) % 2])
        loss = compute_chunk(cur, loss)

    acc_v[...] = loss * (1.0 / _BATCH)
    pltpu.sync_copy(acc_v, out_hbm.at[wid])


@jax.jit
def kernel(positive_triples, negative_triples, entity_weight, relation_weight):
    pos = positive_triples.reshape(-1)
    neg = negative_triples.reshape(-1)
    mesh = plsc.VectorSubcoreMesh(core_axis_name="c", subcore_axis_name="s")
    f = functools.partial(
        pl.kernel,
        mesh=mesh,
        compiler_params=pltpu.CompilerParams(
            needs_layout_passes=False, use_tc_tiling_on_sc=False
        ),
        out_type=jax.ShapeDtypeStruct((_NW, _L), jnp.float32),
        scratch_types=(
            [pltpu.VMEM((_BPW,), jnp.int32)] * 6
            + [pltpu.VMEM((_CHUNK, _EMBEDDING_DIM), jnp.float32)] * 12
            + [pltpu.VMEM((_L,), jnp.float32),
               pltpu.SemaphoreType.DMA, pltpu.SemaphoreType.DMA]
        ),
    )(_tec_body)
    partial = f(pos, neg, entity_weight, relation_weight)
    return jnp.sum(partial)

# --- scband reference (transcript-rebuilt; emitter-appended) ---
"""Pipeline reference for scband-trans-e-68530498175036 (READ-ONLY COPY).

The authoritative reference and input builder live on the scoring server;
editing this copy changes nothing except your own understanding.
"""

import jax, jax.numpy as jnp
import numpy as np

NUM_ENTITIES = 100000
NUM_RELATIONS = 100000
EMBEDDING_DIM = 64
BATCH = 16384
MARGIN = 1.0
NORM = 1


def setup_inputs(seed: int = 0) -> dict:
    key = jax.random.key(seed)
    k1, k2, k3, k4 = jax.random.split(key, 4)
    positive_triples = jax.random.randint(k1, (3, BATCH), 0, NUM_ENTITIES, dtype=jnp.int32)
    negative_triples = jax.random.randint(k2, (3, BATCH), 0, NUM_ENTITIES, dtype=jnp.int32)
    init_factor = 6.0 / np.sqrt(EMBEDDING_DIM)
    entity_weight = jax.random.uniform(k3, (NUM_ENTITIES, EMBEDDING_DIM), dtype=jnp.float32, minval=-init_factor, maxval=init_factor)
    relation_weight = jax.random.uniform(k4, (NUM_RELATIONS, EMBEDDING_DIM), dtype=jnp.float32, minval=-init_factor, maxval=init_factor) / NUM_RELATIONS
    return {
        "positive_triples": positive_triples,
        "negative_triples": negative_triples,
        "entity_weight": entity_weight,
        "relation_weight": relation_weight,
    }


def _distance(triples, entity_weight, relation_weight):
    head, relation, tail = triples[0], triples[1], triples[2]
    head_embedding = jnp.take(entity_weight, head, axis=0)
    relation_embedding = jnp.take(relation_weight, relation, axis=0)
    tail_embedding = jnp.take(entity_weight, tail, axis=0)
    result = head_embedding + relation_embedding - tail_embedding
    # p=1 norm along dim=1
    norm = jnp.sum(jnp.abs(result), axis=1)
    return norm


def reference(positive_triples, negative_triples, entity_weight, relation_weight):
    positive_distance = _distance(positive_triples, entity_weight, relation_weight)
    negative_distance = _distance(negative_triples, entity_weight, relation_weight)
    # MarginRankingLoss with target = -1, reduction='mean':
    # loss = mean(max(0, -target*(x1 - x2) + margin)) = mean(max(0, (x1 - x2) + margin))
    target = -1.0
    loss = jnp.mean(jnp.maximum(0.0, -target * (positive_distance - negative_distance) + MARGIN))
    return loss

if __name__ == "__main__":
    import jax
    _d = setup_inputs()
    print(jax.jit(kernel)(*tuple(_d.values())))

</pallas_src>

<mosaic_0001>
#map = affine_map<(d0, d1) -> (0)>
#map1 = affine_map<(d0, d1) -> (0, 0)>
module attributes {stable_mosaic.version = 14 : i64} {
  func.func @_tec_body(%arg0: i32, %arg1: i32, %arg2: memref<49152xi32, #tpu.memory_space<hbm>>, %arg3: memref<49152xi32, #tpu.memory_space<hbm>>, %arg4: memref<100000x64xf32, #tpu.memory_space<hbm>>, %arg5: memref<100000x64xf32, #tpu.memory_space<hbm>>, %arg6: memref<32x16xf32, #tpu.memory_space<hbm>>, %arg7: memref<512xi32, #tpu.memory_space<vmem>>, %arg8: memref<512xi32, #tpu.memory_space<vmem>>, %arg9: memref<512xi32, #tpu.memory_space<vmem>>, %arg10: memref<512xi32, #tpu.memory_space<vmem>>, %arg11: memref<512xi32, #tpu.memory_space<vmem>>, %arg12: memref<512xi32, #tpu.memory_space<vmem>>, %arg13: memref<128x64xf32, #tpu.memory_space<vmem>>, %arg14: memref<128x64xf32, #tpu.memory_space<vmem>>, %arg15: memref<128x64xf32, #tpu.memory_space<vmem>>, %arg16: memref<128x64xf32, #tpu.memory_space<vmem>>, %arg17: memref<128x64xf32, #tpu.memory_space<vmem>>, %arg18: memref<128x64xf32, #tpu.memory_space<vmem>>, %arg19: memref<128x64xf32, #tpu.memory_space<vmem>>, %arg20: memref<128x64xf32, #tpu.memory_space<vmem>>, %arg21: memref<128x64xf32, #tpu.memory_space<vmem>>, %arg22: memref<128x64xf32, #tpu.memory_space<vmem>>, %arg23: memref<128x64xf32, #tpu.memory_space<vmem>>, %arg24: memref<128x64xf32, #tpu.memory_space<vmem>>, %arg25: memref<16xf32, #tpu.memory_space<vmem>>, %arg26: memref<!tpu.dma_semaphore, #tpu.memory_space<semaphore_mem>>, %arg27: memref<!tpu.dma_semaphore, #tpu.memory_space<semaphore_mem>>) attributes {dimension_semantics = [#tpu.dimension_semantics<core_parallel>, #tpu.dimension_semantics<subcore_parallel>], iteration_bounds = array<i64: 2, 16>, scalar_prefetch = 0 : i64, scratch_operands = 21 : i64, tpu.core_type = #tpu.core_type<sc_vector_subcore>, window_params = [{transform_indices = #map}, {transform_indices = #map}, {transform_indices = #map1}, {transform_indices = #map1}, {transform_indices = #map1}]} {
    %mul3A = arith.constant 2 : i32
    %mul3A_0 = arith.muli %arg1, %mul3A : i32
    %add3A = arith.addi %mul3A_0, %arg0 : i32
    %mul3A_1 = arith.constant 512 : i32
    %mul3A_2 = arith.muli %add3A, %mul3A_1 : i32
    %iota3A = tpu.iota {dimensions = array<i32: 0>} : vector<16xi32>
    %broadcast_in_dim3A = arith.constant 0.000000e+00 : f32
    %broadcast_in_dim3A_3 = vector.broadcast %broadcast_in_dim3A : f32 to vector<16xf32>
    "tpu.region"() ({
      %run_scoped3A = tpu.sem_alloc : memref<!tpu.dma_semaphore, #tpu.memory_space<semaphore_mem>>
      %dma_start3A_277 = tpu.memref_slice %arg2[%mul3A_2] : memref<49152xi32, #tpu.memory_space<hbm>> -> memref<512xi32, #tpu.memory_space<hbm>>
      %dma_start3A_278 = tpu.memref_slice %arg2[%mul3A_2] : memref<49152xi32, #tpu.memory_space<hbm>> -> memref<512xi32, #tpu.memory_space<hbm>>
      tpu.enqueue_dma source(%dma_start3A_278 : memref<512xi32, #tpu.memory_space<hbm>>) target(%arg7 : memref<512xi32, #tpu.memory_space<vmem>>) target_semaphore(%run_scoped3A : memref<!tpu.dma_semaphore, #tpu.memory_space<semaphore_mem>>)
      %dma_wait3A_279 = tpu.memref_slice %arg2[%mul3A_2] : memref<49152xi32, #tpu.memory_space<hbm>> -> memref<512xi32, #tpu.memory_space<hbm>>
      %dma_wait3A_280 = tpu.memref_slice %arg2[%mul3A_2] : memref<49152xi32, #tpu.memory_space<hbm>> -> memref<512xi32, #tpu.memory_space<hbm>>
      tpu.wait_dma2 semaphore(%run_scoped3A : memref<!tpu.dma_semaphore, #tpu.memory_space<semaphore_mem>>) src(%dma_wait3A_280 : memref<512xi32, #tpu.memory_space<hbm>>) dst(%arg7 : memref<512xi32, #tpu.memory_space<vmem>>)
      tpu.yield
    }) : () -> ()
    %add3A_4 = arith.constant 16384 : i32
    %add3A_5 = arith.addi %add3A_4, %mul3A_2 : i32
    "tpu.region"() ({
      %run_scoped3A = tpu.sem_alloc : memref<!tpu.dma_semaphore, #tpu.memory_space<semaphore_mem>>
      %dma_start3A_277 = tpu.memref_slice %arg2[%add3A_5] : memref<49152xi32, #tpu.memory_space<hbm>> -> memref<512xi32, #tpu.memory_space<hbm>>
      %dma_start3A_278 = tpu.memref_slice %arg2[%add3A_5] : memref<49152xi32, #tpu.memory_space<hbm>> -> memref<512xi32, #tpu.memory_space<hbm>>
      tpu.enqueue_dma source(%dma_start3A_278 : memref<512xi32, #tpu.memory_space<hbm>>) target(%arg8 : memref<512xi32, #tpu.memory_space<vmem>>) target_semaphore(%run_scoped3A : memref<!tpu.dma_semaphore, #tpu.memory_space<semaphore_mem>>)
      %dma_wait3A_279 = tpu.memref_slice %arg2[%add3A_5] : memref<49152xi32, #tpu.memory_space<hbm>> -> memref<512xi32, #tpu.memory_space<hbm>>
      %dma_wait3A_280 = tpu.memref_slice %arg2[%add3A_5] : memref<49152xi32, #tpu.memory_space<hbm>> -> memref<512xi32, #tpu.memory_space<hbm>>
      tpu.wait_dma2 semaphore(%run_scoped3A : memref<!tpu.dma_semaphore, #tpu.memory_space<semaphore_mem>>) src(%dma_wait3A_280 : memref<512xi32, #tpu.memory_space<hbm>>) dst(%arg8 : memref<512xi32, #tpu.memory_space<vmem>>)
      tpu.yield
    }) : () -> ()
    %add3A_6 = arith.constant 32768 : i32
    %add3A_7 = arith.addi %add3A_6, %mul3A_2 : i32
    "tpu.region"() ({
      %run_scoped3A = tpu.sem_alloc : memref<!tpu.dma_semaphore, #tpu.memory_space<semaphore_mem>>
      %dma_start3A_277 = tpu.memref_slice %arg2[%add3A_7] : memref<49152xi32, #tpu.memory_space<hbm>> -> memref<512xi32, #tpu.memory_space<hbm>>
      %dma_start3A_278 = tpu.memref_slice %arg2[%add3A_7] : memref<49152xi32, #tpu.memory_space<hbm>> -> memref<512xi32, #tpu.memory_space<hbm>>
      tpu.enqueue_dma source(%dma_start3A_278 : memref<512xi32, #tpu.memory_space<hbm>>) target(%arg9 : memref<512xi32, #tpu.memory_space<vmem>>) target_semaphore(%run_scoped3A : memref<!tpu.dma_semaphore, #tpu.memory_space<semaphore_mem>>)
      %dma_wait3A_279 = tpu.memref_slice %arg2[%add3A_7] : memref<49152xi32, #tpu.memory_space<hbm>> -> memref<512xi32, #tpu.memory_space<hbm>>
      %dma_wait3A_280 = tpu.memref_slice %arg2[%add3A_7] : memref<49152xi32, #tpu.memory_space<hbm>> -> memref<512xi32, #tpu.memory_space<hbm>>
      tpu.wait_dma2 semaphore(%run_scoped3A : memref<!tpu.dma_semaphore, #tpu.memory_space<semaphore_mem>>) src(%dma_wait3A_280 : memref<512xi32, #tpu.memory_space<hbm>>) dst(%arg9 : memref<512xi32, #tpu.memory_space<vmem>>)
      tpu.yield
    }) : () -> ()
    "tpu.region"() ({
      %run_scoped3A = tpu.sem_alloc : memref<!tpu.dma_semaphore, #tpu.memory_space<semaphore_mem>>
      %dma_start3A_277 = tpu.memref_slice %arg3[%mul3A_2] : memref<49152xi32, #tpu.memory_space<hbm>> -> memref<512xi32, #tpu.memory_space<hbm>>
      %dma_start3A_278 = tpu.memref_slice %arg3[%mul3A_2] : memref<49152xi32, #tpu.memory_space<hbm>> -> memref<512xi32, #tpu.memory_space<hbm>>
      tpu.enqueue_dma source(%dma_start3A_278 : memref<512xi32, #tpu.memory_space<hbm>>) target(%arg10 : memref<512xi32, #tpu.memory_space<vmem>>) target_semaphore(%run_scoped3A : memref<!tpu.dma_semaphore, #tpu.memory_space<semaphore_mem>>)
      %dma_wait3A_279 = tpu.memref_slice %arg3[%mul3A_2] : memref<49152xi32, #tpu.memory_space<hbm>> -> memref<512xi32, #tpu.memory_space<hbm>>
      %dma_wait3A_280 = tpu.memref_slice %arg3[%mul3A_2] : memref<49152xi32, #tpu.memory_space<hbm>> -> memref<512xi32, #tpu.memory_space<hbm>>
      tpu.wait_dma2 semaphore(%run_scoped3A : memref<!tpu.dma_semaphore, #tpu.memory_space<semaphore_mem>>) src(%dma_wait3A_280 : memref<512xi32, #tpu.memory_space<hbm>>) dst(%arg10 : memref<512xi32, #tpu.memory_space<vmem>>)
      tpu.yield
    }) : () -> ()
    %add3A_8 = arith.constant 16384 : i32
    %add3A_9 = arith.addi %add3A_8, %mul3A_2 : i32
    "tpu.region"() ({
      %run_scoped3A = tpu.sem_alloc : memref<!tpu.dma_semaphore, #tpu.memory_space<semaphore_mem>>
      %dma_start3A_277 = tpu.memref_slice %arg3[%add3A_9] : memref<49152xi32, #tpu.memory_space<hbm>> -> memref<512xi32, #tpu.memory_space<hbm>>
      %dma_start3A_278 = tpu.memref_slice %arg3[%add3A_9] : memref<49152xi32, #tpu.memory_space<hbm>> -> memref<512xi32, #tpu.memory_space<hbm>>
      tpu.enqueue_dma source(%dma_start3A_278 : memref<512xi32, #tpu.memory_space<hbm>>) target(%arg11 : memref<512xi32, #tpu.memory_space<vmem>>) target_semaphore(%run_scoped3A : memref<!tpu.dma_semaphore, #tpu.memory_space<semaphore_mem>>)
      %dma_wait3A_279 = tpu.memref_slice %arg3[%add3A_9] : memref<49152xi32, #tpu.memory_space<hbm>> -> memref<512xi32, #tpu.memory_space<hbm>>
      %dma_wait3A_280 = tpu.memref_slice %arg3[%add3A_9] : memref<49152xi32, #tpu.memory_space<hbm>> -> memref<512xi32, #tpu.memory_space<hbm>>
      tpu.wait_dma2 semaphore(%run_scoped3A : memref<!tpu.dma_semaphore, #tpu.memory_space<semaphore_mem>>) src(%dma_wait3A_280 : memref<512xi32, #tpu.memory_space<hbm>>) dst(%arg11 : memref<512xi32, #tpu.memory_space<vmem>>)
      tpu.yield
    }) : () -> ()
    %add3A_10 = arith.constant 32768 : i32
    %add3A_11 = arith.addi %add3A_10, %mul3A_2 : i32
    "tpu.region"() ({
      %run_scoped3A = tpu.sem_alloc : memref<!tpu.dma_semaphore, #tpu.memory_space<semaphore_mem>>
      %dma_start3A_277 = tpu.memref_slice %arg3[%add3A_11] : memref<49152xi32, #tpu.memory_space<hbm>> -> memref<512xi32, #tpu.memory_space<hbm>>
      %dma_start3A_278 = tpu.memref_slice %arg3[%add3A_11] : memref<49152xi32, #tpu.memory_space<hbm>> -> memref<512xi32, #tpu.memory_space<hbm>>
      tpu.enqueue_dma source(%dma_start3A_278 : memref<512xi32, #tpu.memory_space<hbm>>) target(%arg12 : memref<512xi32, #tpu.memory_space<vmem>>) target_semaphore(%run_scoped3A : memref<!tpu.dma_semaphore, #tpu.memory_space<semaphore_mem>>)
      %dma_wait3A_279 = tpu.memref_slice %arg3[%add3A_11] : memref<49152xi32, #tpu.memory_space<hbm>> -> memref<512xi32, #tpu.memory_space<hbm>>
      %dma_wait3A_280 = tpu.memref_slice %arg3[%add3A_11] : memref<49152xi32, #tpu.memory_space<hbm>> -> memref<512xi32, #tpu.memory_space<hbm>>
      tpu.wait_dma2 semaphore(%run_scoped3A : memref<!tpu.dma_semaphore, #tpu.memory_space<semaphore_mem>>) src(%dma_wait3A_280 : memref<512xi32, #tpu.memory_space<hbm>>) dst(%arg12 : memref<512xi32, #tpu.memory_space<vmem>>)
      tpu.yield
    }) : () -> ()
    %dma_start3A = arith.constant 0 : i32
    %dma_start3A_12 = tpu.memref_slice %arg7[%dma_start3A] : memref<512xi32, #tpu.memory_space<vmem>> -> memref<128xi32, #tpu.memory_space<vmem>>
    %dma_start3A_13 = arith.constant 0 : i32
    %dma_start3A_14 = arith.constant 0 : i32
    %dma_start3A_15 = tpu.memref_slice %arg4[%dma_start3A_13, %dma_start3A_14] : memref<100000x64xf32, #tpu.memory_space<hbm>> -> memref<100000x64xf32, #tpu.memory_space<hbm>>
    tpu.enqueue_indirect_dma source(%dma_start3A_15 : memref<100000x64xf32, #tpu.memory_space<hbm>>) target(%arg13 : memref<128x64xf32, #tpu.memory_space<vmem>>) offsets(%dma_start3A_12 : memref<128xi32, #tpu.memory_space<vmem>>) semaphore(%arg26 : memref<!tpu.dma_semaphore, #tpu.memory_space<semaphore_mem>>)
    %dma_start3A_16 = arith.constant 0 : i32
    %dma_start3A_17 = tpu.memref_slice %arg8[%dma_start3A_16] : memref<512xi32, #tpu.memory_space<vmem>> -> memref<128xi32, #tpu.memory_space<vmem>>
    %dma_start3A_18 = arith.constant 0 : i32
    %dma_start3A_19 = arith.constant 0 : i32
    %dma_start3A_20 = tpu.memref_slice %arg5[%dma_start3A_18, %dma_start3A_19] : memref<100000x64xf32, #tpu.memory_space<hbm>> -> memref<100000x64xf32, #tpu.memory_space<hbm>>
    tpu.enqueue_indirect_dma source(%dma_start3A_20 : memref<100000x64xf32, #tpu.memory_space<hbm>>) target(%arg14 : memref<128x64xf32, #tpu.memory_space<vmem>>) offsets(%dma_start3A_17 : memref<128xi32, #tpu.memory_space<vmem>>) semaphore(%arg26 : memref<!tpu.dma_semaphore, #tpu.memory_space<semaphore_mem>>)
    %dma_start3A_21 = arith.constant 0 : i32
    %dma_start3A_22 = tpu.memref_slice %arg9[%dma_start3A_21] : memref<512xi32, #tpu.memory_space<vmem>> -> memref<128xi32, #tpu.memory_space<vmem>>
    %dma_start3A_23 = arith.constant 0 : i32
    %dma_start3A_24 = arith.constant 0 : i32
    %dma_start3A_25 = tpu.memref_slice %arg4[%dma_start3A_23, %dma_start3A_24] : memref<100000x64xf32, #tpu.memory_space<hbm>> -> memref<100000x64xf32, #tpu.memory_space<hbm>>
    tpu.enqueue_indirect_dma source(%dma_start3A_25 : memref<100000x64xf32, #tpu.memory_space<hbm>>) target(%arg15 : memref<128x64xf32, #tpu.memory_space<vmem>>) offsets(%dma_start3A_22 : memref<128xi32, #tpu.memory_space<vmem>>) semaphore(%arg26 : memref<!tpu.dma_semaphore, #tpu.memory_space<semaphore_mem>>)
    %dma_start3A_26 = arith.constant 0 : i32
    %dma_start3A_27 = tpu.memref_slice %arg10[%dma_start3A_26] : memref<512xi32, #tpu.memory_space<vmem>> -> memref<128xi32, #tpu.memory_space<vmem>>
    %dma_start3A_28 = arith.constant 0 : i32
    %dma_start3A_29 = arith.constant 0 : i32
    %dma_start3A_30 = tpu.memref_slice %arg4[%dma_start3A_28, %dma_start3A_29] : memref<100000x64xf32, #tpu.memory_space<hbm>> -> memref<100000x64xf32, #tpu.memory_space<hbm>>
    tpu.enqueue_indirect_dma source(%dma_start3A_30 : memref<100000x64xf32, #tpu.memory_space<hbm>>) target(%arg16 : memref<128x64xf32, #tpu.memory_space<vmem>>) offsets(%dma_start3A_27 : memref<128xi32, #tpu.memory_space<vmem>>) semaphore(%arg26 : memref<!tpu.dma_semaphore, #tpu.memory_space<semaphore_mem>>)
    %dma_start3A_31 = arith.constant 0 : i32
    %dma_start3A_32 = tpu.memref_slice %arg11[%dma_start3A_31] : memref<512xi32, #tpu.memory_space<vmem>> -> memref<128xi32, #tpu.memory_space<vmem>>
    %dma_start3A_33 = arith.constant 0 : i32
    %dma_start3A_34 = arith.constant 0 : i32
    %dma_start3A_35 = tpu.memref_slice %arg5[%dma_start3A_33, %dma_start3A_34] : memref<100000x64xf32, #tpu.memory_space<hbm>> -> memref<100000x64xf32, #tpu.memory_space<hbm>>
    tpu.enqueue_indirect_dma source(%dma_start3A_35 : memref<100000x64xf32, #tpu.memory_space<hbm>>) target(%arg17 : memref<128x64xf32, #tpu.memory_space<vmem>>) offsets(%dma_start3A_32 : memref<128xi32, #tpu.memory_space<vmem>>) semaphore(%arg26 : memref<!tpu.dma_semaphore, #tpu.memory_space<semaphore_mem>>)
    %dma_start3A_36 = arith.constant 0 : i32
    %dma_start3A_37 = tpu.memref_slice %arg12[%dma_start3A_36] : memref<512xi32, #tpu.memory_space<vmem>> -> memref<128xi32, #tpu.memory_space<vmem>>
    %dma_start3A_38 = arith.constant 0 : i32
    %dma_start3A_39 = arith.constant 0 : i32
    %dma_start3A_40 = tpu.memref_slice %arg4[%dma_start3A_38, %dma_start3A_39] : memref<100000x64xf32, #tpu.memory_space<hbm>> -> memref<100000x64xf32, #tpu.memory_space<hbm>>
    tpu.enqueue_indirect_dma source(%dma_start3A_40 : memref<100000x64xf32, #tpu.memory_space<hbm>>) target(%arg18 : memref<128x64xf32, #tpu.memory_space<vmem>>) offsets(%dma_start3A_37 : memref<128xi32, #tpu.memory_space<vmem>>) semaphore(%arg26 : memref<!tpu.dma_semaphore, #tpu.memory_space<semaphore_mem>>)
    %dma_wait3A = arith.constant 0 : i32
    %dma_wait3A_41 = tpu.memref_slice %arg7[%dma_wait3A] : memref<512xi32, #tpu.memory_space<vmem>> -> memref<128xi32, #tpu.memory_space<vmem>>
    %dma_wait3A_42 = arith.constant 0 : i32
    %dma_wait3A_43 = arith.constant 0 : i32
    %dma_wait3A_44 = tpu.memref_slice %arg4[%dma_wait3A_42, %dma_wait3A_43] : memref<100000x64xf32, #tpu.memory_space<hbm>> -> memref<100000x64xf32, #tpu.memory_space<hbm>>
    tpu.wait_indirect_dma semaphore(%arg26 : memref<!tpu.dma_semaphore, #tpu.memory_space<semaphore_mem>>) src(%dma_wait3A_44 : memref<100000x64xf32, #tpu.memory_space<hbm>>) dst(%arg13 : memref<128x64xf32, #tpu.memory_space<vmem>>)
    %dma_wait3A_45 = arith.constant 0 : i32
    %dma_wait3A_46 = tpu.memref_slice %arg8[%dma_wait3A_45] : memref<512xi32, #tpu.memory_space<vmem>> -> memref<128xi32, #tpu.memory_space<vmem>>
    %dma_wait3A_47 = arith.constant 0 : i32
    %dma_wait3A_48 = arith.constant 0 : i32
    %dma_wait3A_49 = tpu.memref_slice %arg5[%dma_wait3A_47, %dma_wait3A_48] : memref<100000x64xf32, #tpu.memory_space<hbm>> -> memref<100000x64xf32, #tpu.memory_space<hbm>>
    tpu.wait_indirect_dma semaphore(%arg26 : memref<!tpu.dma_semaphore, #tpu.memory_space<semaphore_mem>>) src(%dma_wait3A_49 : memref<100000x64xf32, #tpu.memory_space<hbm>>) dst(%arg14 : memref<128x64xf32, #tpu.memory_space<vmem>>)
    %dma_wait3A_50 = arith.constant 0 : i32
    %dma_wait3A_51 = tpu.memref_slice %arg9[%dma_wait3A_50] : memref<512xi32, #tpu.memory_space<vmem>> -> memref<128xi32, #tpu.memory_space<vmem>>
    %dma_wait3A_52 = arith.constant 0 : i32
    %dma_wait3A_53 = arith.constant 0 : i32
    %dma_wait3A_54 = tpu.memref_slice %arg4[%dma_wait3A_52, %dma_wait3A_53] : memref<100000x64xf32, #tpu.memory_space<hbm>> -> memref<100000x64xf32, #tpu.memory_space<hbm>>
    tpu.wait_indirect_dma semaphore(%arg26 : memref<!tpu.dma_semaphore, #tpu.memory_space<semaphore_mem>>) src(%dma_wait3A_54 : memref<100000x64xf32, #tpu.memory_space<hbm>>) dst(%arg15 : memref<128x64xf32, #tpu.memory_space<vmem>>)
    %dma_wait3A_55 = arith.constant 0 : i32
    %dma_wait3A_56 = tpu.memref_slice %arg10[%dma_wait3A_55] : memref<512xi32, #tpu.memory_space<vmem>> -> memref<128xi32, #tpu.memory_space<vmem>>
    %dma_wait3A_57 = arith.constant 0 : i32
    %dma_wait3A_58 = arith.constant 0 : i32
    %dma_wait3A_59 = tpu.memref_slice %arg4[%dma_wait3A_57, %dma_wait3A_58] : memref<100000x64xf32, #tpu.memory_space<hbm>> -> memref<100000x64xf32, #tpu.memory_space<hbm>>
    tpu.wait_indirect_dma semaphore(%arg26 : memref<!tpu.dma_semaphore, #tpu.memory_space<semaphore_mem>>) src(%dma_wait3A_59 : memref<100000x64xf32, #tpu.memory_space<hbm>>) dst(%arg16 : memref<128x64xf32, #tpu.memory_space<vmem>>)
    %dma_wait3A_60 = arith.constant 0 : i32
    %dma_wait3A_61 = tpu.memref_slice %arg11[%dma_wait3A_60] : memref<512xi32, #tpu.memory_space<vmem>> -> memref<128xi32, #tpu.memory_space<vmem>>
    %dma_wait3A_62 = arith.constant 0 : i32
    %dma_wait3A_63 = arith.constant 0 : i32
    %dma_wait3A_64 = tpu.memref_slice %arg5[%dma_wait3A_62, %dma_wait3A_63] : memref<100000x64xf32, #tpu.memory_space<hbm>> -> memref<100000x64xf32, #tpu.memory_space<hbm>>
    tpu.wait_indirect_dma semaphore(%arg26 : memref<!tpu.dma_semaphore, #tpu.memory_space<semaphore_mem>>) src(%dma_wait3A_64 : memref<100000x64xf32, #tpu.memory_space<hbm>>) dst(%arg17 : memref<128x64xf32, #tpu.memory_space<vmem>>)
    %dma_wait3A_65 = arith.constant 0 : i32
    %dma_wait3A_66 = tpu.memref_slice %arg12[%dma_wait3A_65] : memref<512xi32, #tpu.memory_space<vmem>> -> memref<128xi32, #tpu.memory_space<vmem>>
    %dma_wait3A_67 = arith.constant 0 : i32
    %dma_wait3A_68 = arith.constant 0 : i32
    %dma_wait3A_69 = tpu.memref_slice %arg4[%dma_wait3A_67, %dma_wait3A_68] : memref<100000x64xf32, #tpu.memory_space<hbm>> -> memref<100000x64xf32, #tpu.memory_space<hbm>>
    tpu.wait_indirect_dma semaphore(%arg26 : memref<!tpu.dma_semaphore, #tpu.memory_space<semaphore_mem>>) src(%dma_wait3A_69 : memref<100000x64xf32, #tpu.memory_space<hbm>>) dst(%arg18 : memref<128x64xf32, #tpu.memory_space<vmem>>)
    %dma_start3A_70 = arith.constant 128 : i32
    %dma_start3A_71 = tpu.memref_slice %arg7[%dma_start3A_70] : memref<512xi32, #tpu.memory_space<vmem>> -> memref<128xi32, #tpu.memory_space<vmem>>
    %dma_start3A_72 = arith.constant 0 : i32
    %dma_start3A_73 = arith.constant 0 : i32
    %dma_start3A_74 = tpu.memref_slice %arg4[%dma_start3A_72, %dma_start3A_73] : memref<100000x64xf32, #tpu.memory_space<hbm>> -> memref<100000x64xf32, #tpu.memory_space<hbm>>
    tpu.enqueue_indirect_dma source(%dma_start3A_74 : memref<100000x64xf32, #tpu.memory_space<hbm>>) target(%arg19 : memref<128x64xf32, #tpu.memory_space<vmem>>) offsets(%dma_start3A_71 : memref<128xi32, #tpu.memory_space<vmem>>) semaphore(%arg27 : memref<!tpu.dma_semaphore, #tpu.memory_space<semaphore_mem>>)
    %dma_start3A_75 = arith.constant 128 : i32
    %dma_start3A_76 = tpu.memref_slice %arg8[%dma_start3A_75] : memref<512xi32, #tpu.memory_space<vmem>> -> memref<128xi32, #tpu.memory_space<vmem>>
    %dma_start3A_77 = arith.constant 0 : i32
    %dma_start3A_78 = arith.constant 0 : i32
    %dma_start3A_79 = tpu.memref_slice %arg5[%dma_start3A_77, %dma_start3A_78] : memref<100000x64xf32, #tpu.memory_space<hbm>> -> memref<100000x64xf32, #tpu.memory_space<hbm>>
    tpu.enqueue_indirect_dma source(%dma_start3A_79 : memref<100000x64xf32, #tpu.memory_space<hbm>>) target(%arg20 : memref<128x64xf32, #tpu.memory_space<vmem>>) offsets(%dma_start3A_76 : memref<128xi32, #tpu.memory_space<vmem>>) semaphore(%arg27 : memref<!tpu.dma_semaphore, #tpu.memory_space<semaphore_mem>>)
    %dma_start3A_80 = arith.constant 128 : i32
    %dma_start3A_81 = tpu.memref_slice %arg9[%dma_start3A_80] : memref<512xi32, #tpu.memory_space<vmem>> -> memref<128xi32, #tpu.memory_space<vmem>>
    %dma_start3A_82 = arith.constant 0 : i32
    %dma_start3A_83 = arith.constant 0 : i32
    %dma_start3A_84 = tpu.memref_slice %arg4[%dma_start3A_82, %dma_start3A_83] : memref<100000x64xf32, #tpu.memory_space<hbm>> -> memref<100000x64xf32, #tpu.memory_space<hbm>>
    tpu.enqueue_indirect_dma source(%dma_start3A_84 : memref<100000x64xf32, #tpu.memory_space<hbm>>) target(%arg21 : memref<128x64xf32, #tpu.memory_space<vmem>>) offsets(%dma_start3A_81 : memref<128xi32, #tpu.memory_space<vmem>>) semaphore(%arg27 : memref<!tpu.dma_semaphore, #tpu.memory_space<semaphore_mem>>)
    %dma_start3A_85 = arith.constant 128 : i32
    %dma_start3A_86 = tpu.memref_slice %arg10[%dma_start3A_85] : memref<512xi32, #tpu.memory_space<vmem>> -> memref<128xi32, #tpu.memory_space<vmem>>
    %dma_start3A_87 = arith.constant 0 : i32
    %dma_start3A_88 = arith.constant 0 : i32
    %dma_start3A_89 = tpu.memref_slice %arg4[%dma_start3A_87, %dma_start3A_88] : memref<100000x64xf32, #tpu.memory_space<hbm>> -> memref<100000x64xf32, #tpu.memory_space<hbm>>
    tpu.enqueue_indirect_dma source(%dma_start3A_89 : memref<100000x64xf32, #tpu.memory_space<hbm>>) target(%arg22 : memref<128x64xf32, #tpu.memory_space<vmem>>) offsets(%dma_start3A_86 : memref<128xi32, #tpu.memory_space<vmem>>) semaphore(%arg27 : memref<!tpu.dma_semaphore, #tpu.memory_space<semaphore_mem>>)
    %dma_start3A_90 = arith.constant 128 : i32
    %dma_start3A_91 = tpu.memref_slice %arg11[%dma_start3A_90] : memref<512xi32, #tpu.memory_space<vmem>> -> memref<128xi32, #tpu.memory_space<vmem>>
    %dma_start3A_92 = arith.constant 0 : i32
    %dma_start3A_93 = arith.constant 0 : i32
    %dma_start3A_94 = tpu.memref_slice %arg5[%dma_start3A_92, %dma_start3A_93] : memref<100000x64xf32, #tpu.memory_space<hbm>> -> memref<100000x64xf32, #tpu.memory_space<hbm>>
    tpu.enqueue_indirect_dma source(%dma_start3A_94 : memref<100000x64xf32, #tpu.memory_space<hbm>>) target(%arg23 : memref<128x64xf32, #tpu.memory_space<vmem>>) offsets(%dma_start3A_91 : memref<128xi32, #tpu.memory_space<vmem>>) semaphore(%arg27 : memref<!tpu.dma_semaphore, #tpu.memory_space<semaphore_mem>>)
    %dma_start3A_95 = arith.constant 128 : i32
    %dma_start3A_96 = tpu.memref_slice %arg12[%dma_start3A_95] : memref<512xi32, #tpu.memory_space<vmem>> -> memref<128xi32, #tpu.memory_space<vmem>>
    %dma_start3A_97 = arith.constant 0 : i32
    %dma_start3A_98 = arith.constant 0 : i32
    %dma_start3A_99 = tpu.memref_slice %arg4[%dma_start3A_97, %dma_start3A_98] : memref<100000x64xf32, #tpu.memory_space<hbm>> -> memref<100000x64xf32, #tpu.memory_space<hbm>>
    tpu.enqueue_indirect_dma source(%dma_start3A_99 : memref<100000x64xf32, #tpu.memory_space<hbm>>) target(%arg24 : memref<128x64xf32, #tpu.memory_space<vmem>>) offsets(%dma_start3A_96 : memref<128xi32, #tpu.memory_space<vmem>>) semaphore(%arg27 : memref<!tpu.dma_semaphore, #tpu.memory_space<semaphore_mem>>)
    %scan3A = arith.constant 0 : i32
    %scan3A_100 = arith.constant 8 : i32
    %scan3A_101 = arith.addi %scan3A, %scan3A_100 : i32
    %scan3A_102 = arith.constant 1 : i32
    %scan3A_103 = scf.for %scan3A_277 = %scan3A to %scan3A_101 step %scan3A_102 iter_args(%scan3A_278 = %broadcast_in_dim3A_3) -> (vector<16xf32>)  : i32 {
      %mul3A_279 = arith.constant 16 : i32
      %mul3A_280 = arith.muli %scan3A_277, %mul3A_279 : i32
      %add3A_281 = vector.broadcast %mul3A_280 : i32 to vector<16xi32>
      %add3A_282 = arith.addi %add3A_281, %iota3A : vector<16xi32>
      %scan3A_283 = arith.constant 0 : i32
      %scan3A_284 = arith.constant 16 : i32
      %scan3A_285 = arith.addi %scan3A_283, %scan3A_284 : i32
      %scan3A_286 = arith.constant 1 : i32
      %scan3A_287:8 = scf.for %scan3A_301 = %scan3A_283 to %scan3A_285 step %scan3A_286 iter_args(%scan3A_302 = %broadcast_in_dim3A_3, %scan3A_303 = %broadcast_in_dim3A_3, %scan3A_304 = %broadcast_in_dim3A_3, %scan3A_305 = %broadcast_in_dim3A_3, %scan3A_306 = %broadcast_in_dim3A_3, %scan3A_307 = %broadcast_in_dim3A_3, %scan3A_308 = %broadcast_in_dim3A_3, %scan3A_309 = %broadcast_in_dim3A_3) -> (vector<16xf32>, vector<16xf32>, vector<16xf32>, vector<16xf32>, vector<16xf32>, vector<16xf32>, vector<16xf32>, vector<16xf32>)  : i32 {
        %mul3A_310 = arith.constant 4 : i32
        %mul3A_311 = arith.muli %scan3A_301, %mul3A_310 : i32
        %add3A_312 = arith.constant 0 : i32
        %add3A_313 = arith.addi %mul3A_311, %add3A_312 : i32
        %add3A_314 = vector.broadcast %add3A_313 : i32 to vector<16xi32>
        %add3A_315 = arith.addi %add3A_314, %iota3A : vector<16xi32>
        %and3A = arith.constant 63 : i32
        %and3A_316 = vector.broadcast %and3A : i32 to vector<16xi32>
        %and3A_317 = arith.andi %add3A_315, %and3A_316 : vector<16xi32>
        %gather3A = tpu.vector_load_idx %arg13[%add3A_282, %and3A_317] : memref<128x64xf32, #tpu.memory_space<vmem>>[vector<16xi32>, vector<16xi32>], vector<16xf32>,
        %gather3A_318 = tpu.vector_load_idx %arg14[%add3A_282, %and3A_317] : memref<128x64xf32, #tpu.memory_space<vmem>>[vector<16xi32>, vector<16xi32>], vector<16xf32>,
        %gather3A_319 = tpu.vector_load_idx %arg15[%add3A_282, %and3A_317] : memref<128x64xf32, #tpu.memory_space<vmem>>[vector<16xi32>, vector<16xi32>], vector<16xf32>,
        %gather3A_320 = tpu.vector_load_idx %arg16[%add3A_282, %and3A_317] : memref<128x64xf32, #tpu.memory_space<vmem>>[vector<16xi32>, vector<16xi32>], vector<16xf32>,
        %gather3A_321 = tpu.vector_load_idx %arg17[%add3A_282, %and3A_317] : memref<128x64xf32, #tpu.memory_space<vmem>>[vector<16xi32>, vector<16xi32>], vector<16xf32>,
        %gather3A_322 = tpu.vector_load_idx %arg18[%add3A_282, %and3A_317] : memref<128x64xf32, #tpu.memory_space<vmem>>[vector<16xi32>, vector<16xi32>], vector<16xf32>,
        %add3A_323 = arith.addf %gather3A, %gather3A_318 : vector<16xf32>
        %sub3A_324 = arith.subf %add3A_323, %gather3A_319 : vector<16xf32>
        %abs3A = math.absf %sub3A_324 : vector<16xf32>
        %add3A_325 = arith.addf %scan3A_302, %abs3A : vector<16xf32>
        %add3A_326 = arith.addf %gather3A_320, %gather3A_321 : vector<16xf32>
        %sub3A_327 = arith.subf %add3A_326, %gather3A_322 : vector<16xf32>
        %abs3A_328 = math.absf %sub3A_327 : vector<16xf32>
        %add3A_329 = arith.addf %scan3A_306, %abs3A_328 : vector<16xf32>
        %add3A_330 = arith.constant 1 : i32
        %add3A_331 = arith.addi %mul3A_311, %add3A_330 : i32
        %add3A_332 = vector.broadcast %add3A_331 : i32 to vector<16xi32>
        %add3A_333 = arith.addi %add3A_332, %iota3A : vector<16xi32>
        %and3A_334 = arith.constant 63 : i32
        %and3A_335 = vector.broadcast %and3A_334 : i32 to vector<16xi32>
        %and3A_336 = arith.andi %add3A_333, %and3A_335 : vector<16xi32>
        %gather3A_337 = tpu.vector_load_idx %arg13[%add3A_282, %and3A_336] : memref<128x64xf32, #tpu.memory_space<vmem>>[vector<16xi32>, vector<16xi32>], vector<16xf32>,
        %gather3A_338 = tpu.vector_load_idx %arg14[%add3A_282, %and3A_336] : memref<128x64xf32, #tpu.memory_space<vmem>>[vector<16xi32>, vector<16xi32>], vector<16xf32>,
        %gather3A_339 = tpu.vector_load_idx %arg15[%add3A_282, %and3A_336] : memref<128x64xf32, #tpu.memory_space<vmem>>[vector<16xi32>, vector<16xi32>], vector<16xf32>,
        %gather3A_340 = tpu.vector_load_idx %arg16[%add3A_282, %and3A_336] : memref<128x64xf32, #tpu.memory_space<vmem>>[vector<16xi32>, vector<16xi32>], vector<16xf32>,
        %gather3A_341 = tpu.vector_load_idx %arg17[%add3A_282, %and3A_336] : memref<128x64xf32, #tpu.memory_space<vmem>>[vector<16xi32>, vector<16xi32>], vector<16xf32>,
        %gather3A_342 = tpu.vector_load_idx %arg18[%add3A_282, %and3A_336] : memref<128x64xf32, #tpu.memory_space<vmem>>[vector<16xi32>, vector<16xi32>], vector<16xf32>,
        %add3A_343 = arith.addf %gather3A_337, %gather3A_338 : vector<16xf32>
        %sub3A_344 = arith.subf %add3A_343, %gather3A_339 : vector<16xf32>
        %abs3A_345 = math.absf %sub3A_344 : vector<16xf32>
        %add3A_346 = arith.addf %scan3A_303, %abs3A_345 : vector<16xf32>
        %add3A_347 = arith.addf %gather3A_340, %gather3A_341 : vector<16xf32>
        %sub3A_348 = arith.subf %add3A_347, %gather3A_342 : vector<16xf32>
        %abs3A_349 = math.absf %sub3A_348 : vector<16xf32>
        %add3A_350 = arith.addf %scan3A_307, %abs3A_349 : vector<16xf32>
        %add3A_351 = arith.constant 2 : i32
        %add3A_352 = arith.addi %mul3A_311, %add3A_351 : i32
        %add3A_353 = vector.broadcast %add3A_352 : i32 to vector<16xi32>
        %add3A_354 = arith.addi %add3A_353, %iota3A : vector<16xi32>
        %and3A_355 = arith.constant 63 : i32
        %and3A_356 = vector.broadcast %and3A_355 : i32 to vector<16xi32>
        %and3A_357 = arith.andi %add3A_354, %and3A_356 : vector<16xi32>
        %gather3A_358 = tpu.vector_load_idx %arg13[%add3A_282, %and3A_357] : memref<128x64xf32, #tpu.memory_space<vmem>>[vector<16xi32>, vector<16xi32>], vector<16xf32>,
        %gather3A_359 = tpu.vector_load_idx %arg14[%add3A_282, %and3A_357] : memref<128x64xf32, #tpu.memory_space<vmem>>[vector<16xi32>, vector<16xi32>], vector<16xf32>,
        %gather3A_360 = tpu.vector_load_idx %arg15[%add3A_282, %and3A_357] : memref<128x64xf32, #tpu.memory_space<vmem>>[vector<16xi32>, vector<16xi32>], vector<16xf32>,
        %gather3A_361 = tpu.vector_load_idx %arg16[%add3A_282, %and3A_357] : memref<128x64xf32, #tpu.memory_space<vmem>>[vector<16xi32>, vector<16xi32>], vector<16xf32>,
        %gather3A_362 = tpu.vector_load_idx %arg17[%add3A_282, %and3A_357] : memref<128x64xf32, #tpu.memory_space<vmem>>[vector<16xi32>, vector<16xi32>], vector<16xf32>,
        %gather3A_363 = tpu.vector_load_idx %arg18[%add3A_282, %and3A_357] : memref<128x64xf32, #tpu.memory_space<vmem>>[vector<16xi32>, vector<16xi32>], vector<16xf32>,
        %add3A_364 = arith.addf %gather3A_358, %gather3A_359 : vector<16xf32>
        %sub3A_365 = arith.subf %add3A_364, %gather3A_360 : vector<16xf32>
        %abs3A_366 = math.absf %sub3A_365 : vector<16xf32>
        %add3A_367 = arith.addf %scan3A_304, %abs3A_366 : vector<16xf32>
        %add3A_368 = arith.addf %gather3A_361, %gather3A_362 : vector<16xf32>
        %sub3A_369 = arith.subf %add3A_368, %gather3A_363 : vector<16xf32>
        %abs3A_370 = math.absf %sub3A_369 : vector<16xf32>
        %add3A_371 = arith.addf %scan3A_308, %abs3A_370 : vector<16xf32>
        %add3A_372 = arith.constant 3 : i32
        %add3A_373 = arith.addi %mul3A_311, %add3A_372 : i32
        %add3A_374 = vector.broadcast %add3A_373 : i32 to vector<16xi32>
        %add3A_375 = arith.addi %add3A_374, %iota3A : vector<16xi32>
        %and3A_376 = arith.constant 63 : i32
        %and3A_377 = vector.broadcast %and3A_376 : i32 to vector<16xi32>
        %and3A_378 = arith.andi %add3A_375, %and3A_377 : vector<16xi32>
        %gather3A_379 = tpu.vector_load_idx %arg13[%add3A_282, %and3A_378] : memref<128x64xf32, #tpu.memory_space<vmem>>[vector<16xi32>, vector<16xi32>], vector<16xf32>,
        %gather3A_380 = tpu.vector_load_idx %arg14[%add3A_282, %and3A_378] : memref<128x64xf32, #tpu.memory_space<vmem>>[vector<16xi32>, vector<16xi32>], vector<16xf32>,
        %gather3A_381 = tpu.vector_load_idx %arg15[%add3A_282, %and3A_378] : memref<128x64xf32, #tpu.memory_space<vmem>>[vector<16xi32>, vector<16xi32>], vector<16xf32>,
        %gather3A_382 = tpu.vector_load_idx %arg16[%add3A_282, %and3A_378] : memref<128x64xf32, #tpu.memory_space<vmem>>[vector<16xi32>, vector<16xi32>], vector<16xf32>,
        %gather3A_383 = tpu.vector_load_idx %arg17[%add3A_282, %and3A_378] : memref<128x64xf32, #tpu.memory_space<vmem>>[vector<16xi32>, vector<16xi32>], vector<16xf32>,
        %gather3A_384 = tpu.vector_load_idx %arg18[%add3A_282, %and3A_378] : memref<128x64xf32, #tpu.memory_space<vmem>>[vector<16xi32>, vector<16xi32>], vector<16xf32>,
        %add3A_385 = arith.addf %gather3A_379, %gather3A_380 : vector<16xf32>
        %sub3A_386 = arith.subf %add3A_385, %gather3A_381 : vector<16xf32>
        %abs3A_387 = math.absf %sub3A_386 : vector<16xf32>
        %add3A_388 = arith.addf %scan3A_305, %abs3A_387 : vector<16xf32>
        %add3A_389 = arith.addf %gather3A_382, %gather3A_383 : vector<16xf32>
        %sub3A_390 = arith.subf %add3A_389, %gather3A_384 : vector<16xf32>
        %abs3A_391 = math.absf %sub3A_390 : vector<16xf32>
        %add3A_392 = arith.addf %scan3A_309, %abs3A_391 : vector<16xf32>
        scf.yield %add3A_325, %add3A_346, %add3A_367, %add3A_388, %add3A_329, %add3A_350, %add3A_371, %add3A_392 : vector<16xf32>, vector<16xf32>, vector<16xf32>, vector<16xf32>, vector<16xf32>, vector<16xf32>, vector<16xf32>, vector<16xf32>
      }
      %scan3A_288 = arith.constant 16 : i32
      %add3A_289 = arith.addf %scan3A_287#0, %scan3A_287#1 : vector<16xf32>
      %add3A_290 = arith.addf %scan3A_287#2, %scan3A_287#3 : vector<16xf32>
      %add3A_291 = arith.addf %add3A_289, %add3A_290 : vector<16xf32>
      %add3A_292 = arith.addf %scan3A_287#4, %scan3A_287#5 : vector<16xf32>
      %add3A_293 = arith.addf %scan3A_287#6, %scan3A_287#7 : vector<16xf32>
      %add3A_294 = arith.addf %add3A_292, %add3A_293 : vector<16xf32>
      %sub3A = arith.subf %add3A_291, %add3A_294 : vector<16xf32>
      %add3A_295 = arith.constant 1.000000e+00 : f32
      %add3A_296 = vector.broadcast %add3A_295 : f32 to vector<16xf32>
      %add3A_297 = arith.addf %sub3A, %add3A_296 : vector<16xf32>
      %max3A = arith.constant 0.000000e+00 : f32
      %max3A_298 = vector.broadcast %max3A : f32 to vector<16xf32>
      %max3A_299 = arith.maximumf %add3A_297, %max3A_298 : vector<16xf32>
      %add3A_300 = arith.addf %scan3A_278, %max3A_299 : vector<16xf32>
      scf.yield %add3A_300 : vector<16xf32>
    }
    %scan3A_104 = arith.constant 8 : i32
    %dma_wait3A_105 = arith.constant 128 : i32
    %dma_wait3A_106 = tpu.memref_slice %arg7[%dma_wait3A_105] : memref<512xi32, #tpu.memory_space<vmem>> -> memref<128xi32, #tpu.memory_space<vmem>>
    %dma_wait3A_107 = arith.constant 0 : i32
    %dma_wait3A_108 = arith.constant 0 : i32
    %dma_wait3A_109 = tpu.memref_slice %arg4[%dma_wait3A_107, %dma_wait3A_108] : memref<100000x64xf32, #tpu.memory_space<hbm>> -> memref<100000x64xf32, #tpu.memory_space<hbm>>
    tpu.wait_indirect_dma semaphore(%arg27 : memref<!tpu.dma_semaphore, #tpu.memory_space<semaphore_mem>>) src(%dma_wait3A_109 : memref<100000x64xf32, #tpu.memory_space<hbm>>) dst(%arg19 : memref<128x64xf32, #tpu.memory_space<vmem>>)
    %dma_wait3A_110 = arith.constant 128 : i32
    %dma_wait3A_111 = tpu.memref_slice %arg8[%dma_wait3A_110] : memref<512xi32, #tpu.memory_space<vmem>> -> memref<128xi32, #tpu.memory_space<vmem>>
    %dma_wait3A_112 = arith.constant 0 : i32
    %dma_wait3A_113 = arith.constant 0 : i32
    %dma_wait3A_114 = tpu.memref_slice %arg5[%dma_wait3A_112, %dma_wait3A_113] : memref<100000x64xf32, #tpu.memory_space<hbm>> -> memref<100000x64xf32, #tpu.memory_space<hbm>>
    tpu.wait_indirect_dma semaphore(%arg27 : memref<!tpu.dma_semaphore, #tpu.memory_space<semaphore_mem>>) src(%dma_wait3A_114 : memref<100000x64xf32, #tpu.memory_space<hbm>>) dst(%arg20 : memref<128x64xf32, #tpu.memory_space<vmem>>)
    %dma_wait3A_115 = arith.constant 128 : i32
    %dma_wait3A_116 = tpu.memref_slice %arg9[%dma_wait3A_115] : memref<512xi32, #tpu.memory_space<vmem>> -> memref<128xi32, #tpu.memory_space<vmem>>
    %dma_wait3A_117 = arith.constant 0 : i32
    %dma_wait3A_118 = arith.constant 0 : i32
    %dma_wait3A_119 = tpu.memref_slice %arg4[%dma_wait3A_117, %dma_wait3A_118] : memref<100000x64xf32, #tpu.memory_space<hbm>> -> memref<100000x64xf32, #tpu.memory_space<hbm>>
    tpu.wait_indirect_dma semaphore(%arg27 : memref<!tpu.dma_semaphore, #tpu.memory_space<semaphore_mem>>) src(%dma_wait3A_119 : memref<100000x64xf32, #tpu.memory_space<hbm>>) dst(%arg21 : memref<128x64xf32, #tpu.memory_space<vmem>>)
    %dma_wait3A_120 = arith.constant 128 : i32
    %dma_wait3A_121 = tpu.memref_slice %arg10[%dma_wait3A_120] : memref<512xi32, #tpu.memory_space<vmem>> -> memref<128xi32, #tpu.memory_space<vmem>>
    %dma_wait3A_122 = arith.constant 0 : i32
    %dma_wait3A_123 = arith.constant 0 : i32
    %dma_wait3A_124 = tpu.memref_slice %arg4[%dma_wait3A_122, %dma_wait3A_123] : memref<100000x64xf32, #tpu.memory_space<hbm>> -> memref<100000x64xf32, #tpu.memory_space<hbm>>
    tpu.wait_indirect_dma semaphore(%arg27 : memref<!tpu.dma_semaphore, #tpu.memory_space<semaphore_mem>>) src(%dma_wait3A_124 : memref<100000x64xf32, #tpu.memory_space<hbm>>) dst(%arg22 : memref<128x64xf32, #tpu.memory_space<vmem>>)
    %dma_wait3A_125 = arith.constant 128 : i32
    %dma_wait3A_126 = tpu.memref_slice %arg11[%dma_wait3A_125] : memref<512xi32, #tpu.memory_space<vmem>> -> memref<128xi32, #tpu.memory_space<vmem>>
    %dma_wait3A_127 = arith.constant 0 : i32
    %dma_wait3A_128 = arith.constant 0 : i32
    %dma_wait3A_129 = tpu.memref_slice %arg5[%dma_wait3A_127, %dma_wait3A_128] : memref<100000x64xf32, #tpu.memory_space<hbm>> -> memref<100000x64xf32, #tpu.memory_space<hbm>>
    tpu.wait_indirect_dma semaphore(%arg27 : memref<!tpu.dma_semaphore, #tpu.memory_space<semaphore_mem>>) src(%dma_wait3A_129 : memref<100000x64xf32, #tpu.memory_space<hbm>>) dst(%arg23 : memref<128x64xf32, #tpu.memory_space<vmem>>)
    %dma_wait3A_130 = arith.constant 128 : i32
    %dma_wait3A_131 = tpu.memref_slice %arg12[%dma_wait3A_130] : memref<512xi32, #tpu.memory_space<vmem>> -> memref<128xi32, #tpu.memory_space<vmem>>
    %dma_wait3A_132 = arith.constant 0 : i32
    %dma_wait3A_133 = arith.constant 0 : i32
    %dma_wait3A_134 = tpu.memref_slice %arg4[%dma_wait3A_132, %dma_wait3A_133] : memref<100000x64xf32, #tpu.memory_space<hbm>> -> memref<100000x64xf32, #tpu.memory_space<hbm>>
    tpu.wait_indirect_dma semaphore(%arg27 : memref<!tpu.dma_semaphore, #tpu.memory_space<semaphore_mem>>) src(%dma_wait3A_134 : memref<100000x64xf32, #tpu.memory_space<hbm>>) dst(%arg24 : memref<128x64xf32, #tpu.memory_space<vmem>>)
    %dma_start3A_135 = arith.constant 256 : i32
    %dma_start3A_136 = tpu.memref_slice %arg7[%dma_start3A_135] : memref<512xi32, #tpu.memory_space<vmem>> -> memref<128xi32, #tpu.memory_space<vmem>>
    %dma_start3A_137 = arith.constant 0 : i32
    %dma_start3A_138 = arith.constant 0 : i32
    %dma_start3A_139 = tpu.memref_slice %arg4[%dma_start3A_137, %dma_start3A_138] : memref<100000x64xf32, #tpu.memory_space<hbm>> -> memref<100000x64xf32, #tpu.memory_space<hbm>>
    tpu.enqueue_indirect_dma source(%dma_start3A_139 : memref<100000x64xf32, #tpu.memory_space<hbm>>) target(%arg13 : memref<128x64xf32, #tpu.memory_space<vmem>>) offsets(%dma_start3A_136 : memref<128xi32, #tpu.memory_space<vmem>>) semaphore(%arg26 : memref<!tpu.dma_semaphore, #tpu.memory_space<semaphore_mem>>)
    %dma_start3A_140 = arith.constant 256 : i32
    %dma_start3A_141 = tpu.memref_slice %arg8[%dma_start3A_140] : memref<512xi32, #tpu.memory_space<vmem>> -> memref<128xi32, #tpu.memory_space<vmem>>
    %dma_start3A_142 = arith.constant 0 : i32
    %dma_start3A_143 = arith.constant 0 : i32
    %dma_start3A_144 = tpu.memref_slice %arg5[%dma_start3A_142, %dma_start3A_143] : memref<100000x64xf32, #tpu.memory_space<hbm>> -> memref<100000x64xf32, #tpu.memory_space<hbm>>
    tpu.enqueue_indirect_dma source(%dma_start3A_144 : memref<100000x64xf32, #tpu.memory_space<hbm>>) target(%arg14 : memref<128x64xf32, #tpu.memory_space<vmem>>) offsets(%dma_start3A_141 : memref<128xi32, #tpu.memory_space<vmem>>) semaphore(%arg26 : memref<!tpu.dma_semaphore, #tpu.memory_space<semaphore_mem>>)
    %dma_start3A_145 = arith.constant 256 : i32
    %dma_start3A_146 = tpu.memref_slice %arg9[%dma_start3A_145] : memref<512xi32, #tpu.memory_space<vmem>> -> memref<128xi32, #tpu.memory_space<vmem>>
    %dma_start3A_147 = arith.constant 0 : i32
    %dma_start3A_148 = arith.constant 0 : i32
    %dma_start3A_149 = tpu.memref_slice %arg4[%dma_start3A_147, %dma_start3A_148] : memref<100000x64xf32, #tpu.memory_space<hbm>> -> memref<100000x64xf32, #tpu.memory_space<hbm>>
    tpu.enqueue_indirect_dma source(%dma_start3A_149 : memref<100000x64xf32, #tpu.memory_space<hbm>>) target(%arg15 : memref<128x64xf32, #tpu.memory_space<vmem>>) offsets(%dma_start3A_146 : memref<128xi32, #tpu.memory_space<vmem>>) semaphore(%arg26 : memref<!tpu.dma_semaphore, #tpu.memory_space<semaphore_mem>>)
    %dma_start3A_150 = arith.constant 256 : i32
    %dma_start3A_151 = tpu.memref_slice %arg10[%dma_start3A_150] : memref<512xi32, #tpu.memory_space<vmem>> -> memref<128xi32, #tpu.memory_space<vmem>>
    %dma_start3A_152 = arith.constant 0 : i32
    %dma_start3A_153 = arith.constant 0 : i32
    %dma_start3A_154 = tpu.memref_slice %arg4[%dma_start3A_152, %dma_start3A_153] : memref<100000x64xf32, #tpu.memory_space<hbm>> -> memref<100000x64xf32, #tpu.memory_space<hbm>>
    tpu.enqueue_indirect_dma source(%dma_start3A_154 : memref<100000x64xf32, #tpu.memory_space<hbm>>) target(%arg16 : memref<128x64xf32, #tpu.memory_space<vmem>>) offsets(%dma_start3A_151 : memref<128xi32, #tpu.memory_space<vmem>>) semaphore(%arg26 : memref<!tpu.dma_semaphore, #tpu.memory_space<semaphore_mem>>)
    %dma_start3A_155 = arith.constant 256 : i32
    %dma_start3A_156 = tpu.memref_slice %arg11[%dma_start3A_155] : memref<512xi32, #tpu.memory_space<vmem>> -> memref<128xi32, #tpu.memory_space<vmem>>
    %dma_start3A_157 = arith.constant 0 : i32
    %dma_start3A_158 = arith.constant 0 : i32
    %dma_start3A_159 = tpu.memref_slice %arg5[%dma_start3A_157, %dma_start3A_158] : memref<100000x64xf32, #tpu.memory_space<hbm>> -> memref<100000x64xf32, #tpu.memory_space<hbm>>
    tpu.enqueue_indirect_dma source(%dma_start3A_159 : memref<100000x64xf32, #tpu.memory_space<hbm>>) target(%arg17 : memref<128x64xf32, #tpu.memory_space<vmem>>) offsets(%dma_start3A_156 : memref<128xi32, #tpu.memory_space<vmem>>) semaphore(%arg26 : memref<!tpu.dma_semaphore, #tpu.memory_space<semaphore_mem>>)
    %dma_start3A_160 = arith.constant 256 : i32
    %dma_start3A_161 = tpu.memref_slice %arg12[%dma_start3A_160] : memref<512xi32, #tpu.memory_space<vmem>> -> memref<128xi32, #tpu.memory_space<vmem>>
    %dma_start3A_162 = arith.constant 0 : i32
    %dma_start3A_163 = arith.constant 0 : i32
    %dma_start3A_164 = tpu.memref_slice %arg4[%dma_start3A_162, %dma_start3A_163] : memref<100000x64xf32, #tpu.memory_space<hbm>> -> memref<100000x64xf32, #tpu.memory_space<hbm>>
    tpu.enqueue_indirect_dma source(%dma_start3A_164 : memref<100000x64xf32, #tpu.memory_space<hbm>>) target(%arg18 : memref<128x64xf32, #tpu.memory_space<vmem>>) offsets(%dma_start3A_161 : memref<128xi32, #tpu.memory_space<vmem>>) semaphore(%arg26 : memref<!tpu.dma_semaphore, #tpu.memory_space<semaphore_mem>>)
    %scan3A_165 = arith.constant 0 : i32
    %scan3A_166 = arith.constant 8 : i32
    %scan3A_167 = arith.addi %scan3A_165, %scan3A_166 : i32
    %scan3A_168 = arith.constant 1 : i32
    %scan3A_169 = scf.for %scan3A_277 = %scan3A_165 to %scan3A_167 step %scan3A_168 iter_args(%scan3A_278 = %scan3A_103) -> (vector<16xf32>)  : i32 {
      %mul3A_279 = arith.constant 16 : i32
      %mul3A_280 = arith.muli %scan3A_277, %mul3A_279 : i32
      %add3A_281 = vector.broadcast %mul3A_280 : i32 to vector<16xi32>
      %add3A_282 = arith.addi %add3A_281, %iota3A : vector<16xi32>
      %scan3A_283 = arith.constant 0 : i32
      %scan3A_284 = arith.constant 16 : i32
      %scan3A_285 = arith.addi %scan3A_283, %scan3A_284 : i32
      %scan3A_286 = arith.constant 1 : i32
      %scan3A_287:8 = scf.for %scan3A_301 = %scan3A_283 to %scan3A_285 step %scan3A_286 iter_args(%scan3A_302 = %broadcast_in_dim3A_3, %scan3A_303 = %broadcast_in_dim3A_3, %scan3A_304 = %broadcast_in_dim3A_3, %scan3A_305 = %broadcast_in_dim3A_3, %scan3A_306 = %broadcast_in_dim3A_3, %scan3A_307 = %broadcast_in_dim3A_3, %scan3A_308 = %broadcast_in_dim3A_3, %scan3A_309 = %broadcast_in_dim3A_3) -> (vector<16xf32>, vector<16xf32>, vector<16xf32>, vector<16xf32>, vector<16xf32>, vector<16xf32>, vector<16xf32>, vector<16xf32>)  : i32 {
        %mul3A_310 = arith.constant 4 : i32
        %mul3A_311 = arith.muli %scan3A_301, %mul3A_310 : i32
        %add3A_312 = arith.constant 0 : i32
        %add3A_313 = arith.addi %mul3A_311, %add3A_312 : i32
        %add3A_314 = vector.broadcast %add3A_313 : i32 to vector<16xi32>
        %add3A_315 = arith.addi %add3A_314, %iota3A : vector<16xi32>
        %and3A = arith.constant 63 : i32
        %and3A_316 = vector.broadcast %and3A : i32 to vector<16xi32>
        %and3A_317 = arith.andi %add3A_315, %and3A_316 : vector<16xi32>
        %gather3A = tpu.vector_load_idx %arg19[%add3A_282, %and3A_317] : memref<128x64xf32, #tpu.memory_space<vmem>>[vector<16xi32>, vector<16xi32>], vector<16xf32>,
        %gather3A_318 = tpu.vector_load_idx %arg20[%add3A_282, %and3A_317] : memref<128x64xf32, #tpu.memory_space<vmem>>[vector<16xi32>, vector<16xi32>], vector<16xf32>,
        %gather3A_319 = tpu.vector_load_idx %arg21[%add3A_282, %and3A_317] : memref<128x64xf32, #tpu.memory_space<vmem>>[vector<16xi32>, vector<16xi32>], vector<16xf32>,
        %gather3A_320 = tpu.vector_load_idx %arg22[%add3A_282, %and3A_317] : memref<128x64xf32, #tpu.memory_space<vmem>>[vector<16xi32>, vector<16xi32>], vector<16xf32>,
        %gather3A_321 = tpu.vector_load_idx %arg23[%add3A_282, %and3A_317] : memref<128x64xf32, #tpu.memory_space<vmem>>[vector<16xi32>, vector<16xi32>], vector<16xf32>,
        %gather3A_322 = tpu.vector_load_idx %arg24[%add3A_282, %and3A_317] : memref<128x64xf32, #tpu.memory_space<vmem>>[vector<16xi32>, vector<16xi32>], vector<16xf32>,
        %add3A_323 = arith.addf %gather3A, %gather3A_318 : vector<16xf32>
        %sub3A_324 = arith.subf %add3A_323, %gather3A_319 : vector<16xf32>
        %abs3A = math.absf %sub3A_324 : vector<16xf32>
        %add3A_325 = arith.addf %scan3A_302, %abs3A : vector<16xf32>
        %add3A_326 = arith.addf %gather3A_320, %gather3A_321 : vector<16xf32>
        %sub3A_327 = arith.subf %add3A_326, %gather3A_322 : vector<16xf32>
        %abs3A_328 = math.absf %sub3A_327 : vector<16xf32>
        %add3A_329 = arith.addf %scan3A_306, %abs3A_328 : vector<16xf32>
        %add3A_330 = arith.constant 1 : i32
        %add3A_331 = arith.addi %mul3A_311, %add3A_330 : i32
        %add3A_332 = vector.broadcast %add3A_331 : i32 to vector<16xi32>
        %add3A_333 = arith.addi %add3A_332, %iota3A : vector<16xi32>
        %and3A_334 = arith.constant 63 : i32
        %and3A_335 = vector.broadcast %and3A_334 : i32 to vector<16xi32>
        %and3A_336 = arith.andi %add3A_333, %and3A_335 : vector<16xi32>
        %gather3A_337 = tpu.vector_load_idx %arg19[%add3A_282, %and3A_336] : memref<128x64xf32, #tpu.memory_space<vmem>>[vector<16xi32>, vector<16xi32>], vector<16xf32>,
        %gather3A_338 = tpu.vector_load_idx %arg20[%add3A_282, %and3A_336] : memref<128x64xf32, #tpu.memory_space<vmem>>[vector<16xi32>, vector<16xi32>], vector<16xf32>,
        %gather3A_339 = tpu.vector_load_idx %arg21[%add3A_282, %and3A_336] : memref<128x64xf32, #tpu.memory_space<vmem>>[vector<16xi32>, vector<16xi32>], vector<16xf32>,
        %gather3A_340 = tpu.vector_load_idx %arg22[%add3A_282, %and3A_336] : memref<128x64xf32, #tpu.memory_space<vmem>>[vector<16xi32>, vector<16xi32>], vector<16xf32>,
        %gather3A_341 = tpu.vector_load_idx %arg23[%add3A_282, %and3A_336] : memref<128x64xf32, #tpu.memory_space<vmem>>[vector<16xi32>, vector<16xi32>], vector<16xf32>,
        %gather3A_342 = tpu.vector_load_idx %arg24[%add3A_282, %and3A_336] : memref<128x64xf32, #tpu.memory_space<vmem>>[vector<16xi32>, vector<16xi32>], vector<16xf32>,
        %add3A_343 = arith.addf %gather3A_337, %gather3A_338 : vector<16xf32>
        %sub3A_344 = arith.subf %add3A_343, %gather3A_339 : vector<16xf32>
        %abs3A_345 = math.absf %sub3A_344 : vector<16xf32>
        %add3A_346 = arith.addf %scan3A_303, %abs3A_345 : vector<16xf32>
        %add3A_347 = arith.addf %gather3A_340, %gather3A_341 : vector<16xf32>
        %sub3A_348 = arith.subf %add3A_347, %gather3A_342 : vector<16xf32>
        %abs3A_349 = math.absf %sub3A_348 : vector<16xf32>
        %add3A_350 = arith.addf %scan3A_307, %abs3A_349 : vector<16xf32>
        %add3A_351 = arith.constant 2 : i32
        %add3A_352 = arith.addi %mul3A_311, %add3A_351 : i32
        %add3A_353 = vector.broadcast %add3A_352 : i32 to vector<16xi32>
        %add3A_354 = arith.addi %add3A_353, %iota3A : vector<16xi32>
        %and3A_355 = arith.constant 63 : i32
        %and3A_356 = vector.broadcast %and3A_355 : i32 to vector<16xi32>
        %and3A_357 = arith.andi %add3A_354, %and3A_356 : vector<16xi32>
        %gather3A_358 = tpu.vector_load_idx %arg19[%add3A_282, %and3A_357] : memref<128x64xf32, #tpu.memory_space<vmem>>[vector<16xi32>, vector<16xi32>], vector<16xf32>,
        %gather3A_359 = tpu.vector_load_idx %arg20[%add3A_282, %and3A_357] : memref<128x64xf32, #tpu.memory_space<vmem>>[vector<16xi32>, vector<16xi32>], vector<16xf32>,
        %gather3A_360 = tpu.vector_load_idx %arg21[%add3A_282, %and3A_357] : memref<128x64xf32, #tpu.memory_space<vmem>>[vector<16xi32>, vector<16xi32>], vector<16xf32>,
        %gather3A_361 = tpu.vector_load_idx %arg22[%add3A_282, %and3A_357] : memref<128x64xf32, #tpu.memory_space<vmem>>[vector<16xi32>, vector<16xi32>], vector<16xf32>,
        %gather3A_362 = tpu.vector_load_idx %arg23[%add3A_282, %and3A_357] : memref<128x64xf32, #tpu.memory_space<vmem>>[vector<16xi32>, vector<16xi32>], vector<16xf32>,
        %gather3A_363 = tpu.vector_load_idx %arg24[%add3A_282, %and3A_357] : memref<128x64xf32, #tpu.memory_space<vmem>>[vector<16xi32>, vector<16xi32>], vector<16xf32>,
        %add3A_364 = arith.addf %gather3A_358, %gather3A_359 : vector<16xf32>
        %sub3A_365 = arith.subf %add3A_364, %gather3A_360 : vector<16xf32>
        %abs3A_366 = math.absf %sub3A_365 : vector<16xf32>
        %add3A_367 = arith.addf %scan3A_304, %abs3A_366 : vector<16xf32>
        %add3A_368 = arith.addf %gather3A_361, %gather3A_362 : vector<16xf32>
        %sub3A_369 = arith.subf %add3A_368, %gather3A_363 : vector<16xf32>
        %abs3A_370 = math.absf %sub3A_369 : vector<16xf32>
        %add3A_371 = arith.addf %scan3A_308, %abs3A_370 : vector<16xf32>
        %add3A_372 = arith.constant 3 : i32
        %add3A_373 = arith.addi %mul3A_311, %add3A_372 : i32
        %add3A_374 = vector.broadcast %add3A_373 : i32 to vector<16xi32>
        %add3A_375 = arith.addi %add3A_374, %iota3A : vector<16xi32>
        %and3A_376 = arith.constant 63 : i32
        %and3A_377 = vector.broadcast %and3A_376 : i32 to vector<16xi32>
        %and3A_378 = arith.andi %add3A_375, %and3A_377 : vector<16xi32>
        %gather3A_379 = tpu.vector_load_idx %arg19[%add3A_282, %and3A_378] : memref<128x64xf32, #tpu.memory_space<vmem>>[vector<16xi32>, vector<16xi32>], vector<16xf32>,
        %gather3A_380 = tpu.vector_load_idx %arg20[%add3A_282, %and3A_378] : memref<128x64xf32, #tpu.memory_space<vmem>>[vector<16xi32>, vector<16xi32>], vector<16xf32>,
        %gather3A_381 = tpu.vector_load_idx %arg21[%add3A_282, %and3A_378] : memref<128x64xf32, #tpu.memory_space<vmem>>[vector<16xi32>, vector<16xi32>], vector<16xf32>,
        %gather3A_382 = tpu.vector_load_idx %arg22[%add3A_282, %and3A_378] : memref<128x64xf32, #tpu.memory_space<vmem>>[vector<16xi32>, vector<16xi32>], vector<16xf32>,
        %gather3A_383 = tpu.vector_load_idx %arg23[%add3A_282, %and3A_378] : memref<128x64xf32, #tpu.memory_space<vmem>>[vector<16xi32>, vector<16xi32>], vector<16xf32>,
        %gather3A_384 = tpu.vector_load_idx %arg24[%add3A_282, %and3A_378] : memref<128x64xf32, #tpu.memory_space<vmem>>[vector<16xi32>, vector<16xi32>], vector<16xf32>,
        %add3A_385 = arith.addf %gather3A_379, %gather3A_380 : vector<16xf32>
        %sub3A_386 = arith.subf %add3A_385, %gather3A_381 : vector<16xf32>
        %abs3A_387 = math.absf %sub3A_386 : vector<16xf32>
        %add3A_388 = arith.addf %scan3A_305, %abs3A_387 : vector<16xf32>
        %add3A_389 = arith.addf %gather3A_382, %gather3A_383 : vector<16xf32>
        %sub3A_390 = arith.subf %add3A_389, %gather3A_384 : vector<16xf32>
        %abs3A_391 = math.absf %sub3A_390 : vector<16xf32>
        %add3A_392 = arith.addf %scan3A_309, %abs3A_391 : vector<16xf32>
        scf.yield %add3A_325, %add3A_346, %add3A_367, %add3A_388, %add3A_329, %add3A_350, %add3A_371, %add3A_392 : vector<16xf32>, vector<16xf32>, vector<16xf32>, vector<16xf32>, vector<16xf32>, vector<16xf32>, vector<16xf32>, vector<16xf32>
      }
      %scan3A_288 = arith.constant 16 : i32
      %add3A_289 = arith.addf %scan3A_287#0, %scan3A_287#1 : vector<16xf32>
      %add3A_290 = arith.addf %scan3A_287#2, %scan3A_287#3 : vector<16xf32>
      %add3A_291 = arith.addf %add3A_289, %add3A_290 : vector<16xf32>
      %add3A_292 = arith.addf %scan3A_287#4, %scan3A_287#5 : vector<16xf32>
      %add3A_293 = arith.addf %scan3A_287#6, %scan3A_287#7 : vector<16xf32>
      %add3A_294 = arith.addf %add3A_292, %add3A_293 : vector<16xf32>
      %sub3A = arith.subf %add3A_291, %add3A_294 : vector<16xf32>
      %add3A_295 = arith.constant 1.000000e+00 : f32
      %add3A_296 = vector.broadcast %add3A_295 : f32 to vector<16xf32>
      %add3A_297 = arith.addf %sub3A, %add3A_296 : vector<16xf32>
      %max3A = arith.constant 0.000000e+00 : f32
      %max3A_298 = vector.broadcast %max3A : f32 to vector<16xf32>
      %max3A_299 = arith.maximumf %add3A_297, %max3A_298 : vector<16xf32>
      %add3A_300 = arith.addf %scan3A_278, %max3A_299 : vector<16xf32>
      scf.yield %add3A_300 : vector<16xf32>
    }
    %scan3A_170 = arith.constant 8 : i32
    %dma_wait3A_171 = arith.constant 256 : i32
    %dma_wait3A_172 = tpu.memref_slice %arg7[%dma_wait3A_171] : memref<512xi32, #tpu.memory_space<vmem>> -> memref<128xi32, #tpu.memory_space<vmem>>
    %dma_wait3A_173 = arith.constant 0 : i32
    %dma_wait3A_174 = arith.constant 0 : i32
    %dma_wait3A_175 = tpu.memref_slice %arg4[%dma_wait3A_173, %dma_wait3A_174] : memref<100000x64xf32, #tpu.memory_space<hbm>> -> memref<100000x64xf32, #tpu.memory_space<hbm>>
    tpu.wait_indirect_dma semaphore(%arg26 : memref<!tpu.dma_semaphore, #tpu.memory_space<semaphore_mem>>) src(%dma_wait3A_175 : memref<100000x64xf32, #tpu.memory_space<hbm>>) dst(%arg13 : memref<128x64xf32, #tpu.memory_space<vmem>>)
    %dma_wait3A_176 = arith.constant 256 : i32
    %dma_wait3A_177 = tpu.memref_slice %arg8[%dma_wait3A_176] : memref<512xi32, #tpu.memory_space<vmem>> -> memref<128xi32, #tpu.memory_space<vmem>>
    %dma_wait3A_178 = arith.constant 0 : i32
    %dma_wait3A_179 = arith.constant 0 : i32
    %dma_wait3A_180 = tpu.memref_slice %arg5[%dma_wait3A_178, %dma_wait3A_179] : memref<100000x64xf32, #tpu.memory_space<hbm>> -> memref<100000x64xf32, #tpu.memory_space<hbm>>
    tpu.wait_indirect_dma semaphore(%arg26 : memref<!tpu.dma_semaphore, #tpu.memory_space<semaphore_mem>>) src(%dma_wait3A_180 : memref<100000x64xf32, #tpu.memory_space<hbm>>) dst(%arg14 : memref<128x64xf32, #tpu.memory_space<vmem>>)
    %dma_wait3A_181 = arith.constant 256 : i32
    %dma_wait3A_182 = tpu.memref_slice %arg9[%dma_wait3A_181] : memref<512xi32, #tpu.memory_space<vmem>> -> memref<128xi32, #tpu.memory_space<vmem>>
    %dma_wait3A_183 = arith.constant 0 : i32
    %dma_wait3A_184 = arith.constant 0 : i32
    %dma_wait3A_185 = tpu.memref_slice %arg4[%dma_wait3A_183, %dma_wait3A_184] : memref<100000x64xf32, #tpu.memory_space<hbm>> -> memref<100000x64xf32, #tpu.memory_space<hbm>>
    tpu.wait_indirect_dma semaphore(%arg26 : memref<!tpu.dma_semaphore, #tpu.memory_space<semaphore_mem>>) src(%dma_wait3A_185 : memref<100000x64xf32, #tpu.memory_space<hbm>>) dst(%arg15 : memref<128x64xf32, #tpu.memory_space<vmem>>)
    %dma_wait3A_186 = arith.constant 256 : i32
    %dma_wait3A_187 = tpu.memref_slice %arg10[%dma_wait3A_186] : memref<512xi32, #tpu.memory_space<vmem>> -> memref<128xi32, #tpu.memory_space<vmem>>
    %dma_wait3A_188 = arith.constant 0 : i32
    %dma_wait3A_189 = arith.constant 0 : i32
    %dma_wait3A_190 = tpu.memref_slice %arg4[%dma_wait3A_188, %dma_wait3A_189] : memref<100000x64xf32, #tpu.memory_space<hbm>> -> memref<100000x64xf32, #tpu.memory_space<hbm>>
    tpu.wait_indirect_dma semaphore(%arg26 : memref<!tpu.dma_semaphore, #tpu.memory_space<semaphore_mem>>) src(%dma_wait3A_190 : memref<100000x64xf32, #tpu.memory_space<hbm>>) dst(%arg16 : memref<128x64xf32, #tpu.memory_space<vmem>>)
    %dma_wait3A_191 = arith.constant 256 : i32
    %dma_wait3A_192 = tpu.memref_slice %arg11[%dma_wait3A_191] : memref<512xi32, #tpu.memory_space<vmem>> -> memref<128xi32, #tpu.memory_space<vmem>>
    %dma_wait3A_193 = arith.constant 0 : i32
    %dma_wait3A_194 = arith.constant 0 : i32
    %dma_wait3A_195 = tpu.memref_slice %arg5[%dma_wait3A_193, %dma_wait3A_194] : memref<100000x64xf32, #tpu.memory_space<hbm>> -> memref<100000x64xf32, #tpu.memory_space<hbm>>
    tpu.wait_indirect_dma semaphore(%arg26 : memref<!tpu.dma_semaphore, #tpu.memory_space<semaphore_mem>>) src(%dma_wait3A_195 : memref<100000x64xf32, #tpu.memory_space<hbm>>) dst(%arg17 : memref<128x64xf32, #tpu.memory_space<vmem>>)
    %dma_wait3A_196 = arith.constant 256 : i32
    %dma_wait3A_197 = tpu.memref_slice %arg12[%dma_wait3A_196] : memref<512xi32, #tpu.memory_space<vmem>> -> memref<128xi32, #tpu.memory_space<vmem>>
    %dma_wait3A_198 = arith.constant 0 : i32
    %dma_wait3A_199 = arith.constant 0 : i32
    %dma_wait3A_200 = tpu.memref_slice %arg4[%dma_wait3A_198, %dma_wait3A_199] : memref<100000x64xf32, #tpu.memory_space<hbm>> -> memref<100000x64xf32, #tpu.memory_space<hbm>>
    tpu.wait_indirect_dma semaphore(%arg26 : memref<!tpu.dma_semaphore, #tpu.memory_space<semaphore_mem>>) src(%dma_wait3A_200 : memref<100000x64xf32, #tpu.memory_space<hbm>>) dst(%arg18 : memref<128x64xf32, #tpu.memory_space<vmem>>)
    %dma_start3A_201 = arith.constant 384 : i32
    %dma_start3A_202 = tpu.memref_slice %arg7[%dma_start3A_201] : memref<512xi32, #tpu.memory_space<vmem>> -> memref<128xi32, #tpu.memory_space<vmem>>
    %dma_start3A_203 = arith.constant 0 : i32
    %dma_start3A_204 = arith.constant 0 : i32
    %dma_start3A_205 = tpu.memref_slice %arg4[%dma_start3A_203, %dma_start3A_204] : memref<100000x64xf32, #tpu.memory_space<hbm>> -> memref<100000x64xf32, #tpu.memory_space<hbm>>
    tpu.enqueue_indirect_dma source(%dma_start3A_205 : memref<100000x64xf32, #tpu.memory_space<hbm>>) target(%arg19 : memref<128x64xf32, #tpu.memory_space<vmem>>) offsets(%dma_start3A_202 : memref<128xi32, #tpu.memory_space<vmem>>) semaphore(%arg27 : memref<!tpu.dma_semaphore, #tpu.memory_space<semaphore_mem>>)
    %dma_start3A_206 = arith.constant 384 : i32
    %dma_start3A_207 = tpu.memref_slice %arg8[%dma_start3A_206] : memref<512xi32, #tpu.memory_space<vmem>> -> memref<128xi32, #tpu.memory_space<vmem>>
    %dma_start3A_208 = arith.constant 0 : i32
    %dma_start3A_209 = arith.constant 0 : i32
    %dma_start3A_210 = tpu.memref_slice %arg5[%dma_start3A_208, %dma_start3A_209] : memref<100000x64xf32, #tpu.memory_space<hbm>> -> memref<100000x64xf32, #tpu.memory_space<hbm>>
    tpu.enqueue_indirect_dma source(%dma_start3A_210 : memref<100000x64xf32, #tpu.memory_space<hbm>>) target(%arg20 : memref<128x64xf32, #tpu.memory_space<vmem>>) offsets(%dma_start3A_207 : memref<128xi32, #tpu.memory_space<vmem>>) semaphore(%arg27 : memref<!tpu.dma_semaphore, #tpu.memory_space<semaphore_mem>>)
    %dma_start3A_211 = arith.constant 384 : i32
    %dma_start3A_212 = tpu.memref_slice %arg9[%dma_start3A_211] : memref<512xi32, #tpu.memory_space<vmem>> -> memref<128xi32, #tpu.memory_space<vmem>>
    %dma_start3A_213 = arith.constant 0 : i32
    %dma_start3A_214 = arith.constant 0 : i32
    %dma_start3A_215 = tpu.memref_slice %arg4[%dma_start3A_213, %dma_start3A_214] : memref<100000x64xf32, #tpu.memory_space<hbm>> -> memref<100000x64xf32, #tpu.memory_space<hbm>>
    tpu.enqueue_indirect_dma source(%dma_start3A_215 : memref<100000x64xf32, #tpu.memory_space<hbm>>) target(%arg21 : memref<128x64xf32, #tpu.memory_space<vmem>>) offsets(%dma_start3A_212 : memref<128xi32, #tpu.memory_space<vmem>>) semaphore(%arg27 : memref<!tpu.dma_semaphore, #tpu.memory_space<semaphore_mem>>)
    %dma_start3A_216 = arith.constant 384 : i32
    %dma_start3A_217 = tpu.memref_slice %arg10[%dma_start3A_216] : memref<512xi32, #tpu.memory_space<vmem>> -> memref<128xi32, #tpu.memory_space<vmem>>
    %dma_start3A_218 = arith.constant 0 : i32
    %dma_start3A_219 = arith.constant 0 : i32
    %dma_start3A_220 = tpu.memref_slice %arg4[%dma_start3A_218, %dma_start3A_219] : memref<100000x64xf32, #tpu.memory_space<hbm>> -> memref<100000x64xf32, #tpu.memory_space<hbm>>
    tpu.enqueue_indirect_dma source(%dma_start3A_220 : memref<100000x64xf32, #tpu.memory_space<hbm>>) target(%arg22 : memref<128x64xf32, #tpu.memory_space<vmem>>) offsets(%dma_start3A_217 : memref<128xi32, #tpu.memory_space<vmem>>) semaphore(%arg27 : memref<!tpu.dma_semaphore, #tpu.memory_space<semaphore_mem>>)
    %dma_start3A_221 = arith.constant 384 : i32
    %dma_start3A_222 = tpu.memref_slice %arg11[%dma_start3A_221] : memref<512xi32, #tpu.memory_space<vmem>> -> memref<128xi32, #tpu.memory_space<vmem>>
    %dma_start3A_223 = arith.constant 0 : i32
    %dma_start3A_224 = arith.constant 0 : i32
    %dma_start3A_225 = tpu.memref_slice %arg5[%dma_start3A_223, %dma_start3A_224] : memref<100000x64xf32, #tpu.memory_space<hbm>> -> memref<100000x64xf32, #tpu.memory_space<hbm>>
    tpu.enqueue_indirect_dma source(%dma_start3A_225 : memref<100000x64xf32, #tpu.memory_space<hbm>>) target(%arg23 : memref<128x64xf32, #tpu.memory_space<vmem>>) offsets(%dma_start3A_222 : memref<128xi32, #tpu.memory_space<vmem>>) semaphore(%arg27 : memref<!tpu.dma_semaphore, #tpu.memory_space<semaphore_mem>>)
    %dma_start3A_226 = arith.constant 384 : i32
    %dma_start3A_227 = tpu.memref_slice %arg12[%dma_start3A_226] : memref<512xi32, #tpu.memory_space<vmem>> -> memref<128xi32, #tpu.memory_space<vmem>>
    %dma_start3A_228 = arith.constant 0 : i32
    %dma_start3A_229 = arith.constant 0 : i32
    %dma_start3A_230 = tpu.memref_slice %arg4[%dma_start3A_228, %dma_start3A_229] : memref<100000x64xf32, #tpu.memory_space<hbm>> -> memref<100000x64xf32, #tpu.memory_space<hbm>>
    tpu.enqueue_indirect_dma source(%dma_start3A_230 : memref<100000x64xf32, #tpu.memory_space<hbm>>) target(%arg24 : memref<128x64xf32, #tpu.memory_space<vmem>>) offsets(%dma_start3A_227 : memref<128xi32, #tpu.memory_space<vmem>>) semaphore(%arg27 : memref<!tpu.dma_semaphore, #tpu.memory_space<semaphore_mem>>)
    %scan3A_231 = arith.constant 0 : i32
    %scan3A_232 = arith.constant 8 : i32
    %scan3A_233 = arith.addi %scan3A_231, %scan3A_232 : i32
    %scan3A_234 = arith.constant 1 : i32
    %scan3A_235 = scf.for %scan3A_277 = %scan3A_231 to %scan3A_233 step %scan3A_234 iter_args(%scan3A_278 = %scan3A_169) -> (vector<16xf32>)  : i32 {
      %mul3A_279 = arith.constant 16 : i32
      %mul3A_280 = arith.muli %scan3A_277, %mul3A_279 : i32
      %add3A_281 = vector.broadcast %mul3A_280 : i32 to vector<16xi32>
      %add3A_282 = arith.addi %add3A_281, %iota3A : vector<16xi32>
      %scan3A_283 = arith.constant 0 : i32
      %scan3A_284 = arith.constant 16 : i32
      %scan3A_285 = arith.addi %scan3A_283, %scan3A_284 : i32
      %scan3A_286 = arith.constant 1 : i32
      %scan3A_287:8 = scf.for %scan3A_301 = %scan3A_283 to %scan3A_285 step %scan3A_286 iter_args(%scan3A_302 = %broadcast_in_dim3A_3, %scan3A_303 = %broadcast_in_dim3A_3, %scan3A_304 = %broadcast_in_dim3A_3, %scan3A_305 = %broadcast_in_dim3A_3, %scan3A_306 = %broadcast_in_dim3A_3, %scan3A_307 = %broadcast_in_dim3A_3, %scan3A_308 = %broadcast_in_dim3A_3, %scan3A_309 = %broadcast_in_dim3A_3) -> (vector<16xf32>, vector<16xf32>, vector<16xf32>, vector<16xf32>, vector<16xf32>, vector<16xf32>, vector<16xf32>, vector<16xf32>)  : i32 {
        %mul3A_310 = arith.constant 4 : i32
        %mul3A_311 = arith.muli %scan3A_301, %mul3A_310 : i32
        %add3A_312 = arith.constant 0 : i32
        %add3A_313 = arith.addi %mul3A_311, %add3A_312 : i32
        %add3A_314 = vector.broadcast %add3A_313 : i32 to vector<16xi32>
        %add3A_315 = arith.addi %add3A_314, %iota3A : vector<16xi32>
        %and3A = arith.constant 63 : i32
        %and3A_316 = vector.broadcast %and3A : i32 to vector<16xi32>
        %and3A_317 = arith.andi %add3A_315, %and3A_316 : vector<16xi32>
        %gather3A = tpu.vector_load_idx %arg13[%add3A_282, %and3A_317] : memref<128x64xf32, #tpu.memory_space<vmem>>[vector<16xi32>, vector<16xi32>], vector<16xf32>,
        %gather3A_318 = tpu.vector_load_idx %arg14[%add3A_282, %and3A_317] : memref<128x64xf32, #tpu.memory_space<vmem>>[vector<16xi32>, vector<16xi32>], vector<16xf32>,
        %gather3A_319 = tpu.vector_load_idx %arg15[%add3A_282, %and3A_317] : memref<128x64xf32, #tpu.memory_space<vmem>>[vector<16xi32>, vector<16xi32>], vector<16xf32>,
        %gather3A_320 = tpu.vector_load_idx %arg16[%add3A_282, %and3A_317] : memref<128x64xf32, #tpu.memory_space<vmem>>[vector<16xi32>, vector<16xi32>], vector<16xf32>,
        %gather3A_321 = tpu.vector_load_idx %arg17[%add3A_282, %and3A_317] : memref<128x64xf32, #tpu.memory_space<vmem>>[vector<16xi32>, vector<16xi32>], vector<16xf32>,
        %gather3A_322 = tpu.vector_load_idx %arg18[%add3A_282, %and3A_317] : memref<128x64xf32, #tpu.memory_space<vmem>>[vector<16xi32>, vector<16xi32>], vector<16xf32>,
        %add3A_323 = arith.addf %gather3A, %gather3A_318 : vector<16xf32>
        %sub3A_324 = arith.subf %add3A_323, %gather3A_319 : vector<16xf32>
        %abs3A = math.absf %sub3A_324 : vector<16xf32>
        %add3A_325 = arith.addf %scan3A_302, %abs3A : vector<16xf32>
        %add3A_326 = arith.addf %gather3A_320, %gather3A_321 : vector<16xf32>
        %sub3A_327 = arith.subf %add3A_326, %gather3A_322 : vector<16xf32>
        %abs3A_328 = math.absf %sub3A_327 : vector<16xf32>
        %add3A_329 = arith.addf %scan3A_306, %abs3A_328 : vector<16xf32>
        %add3A_330 = arith.constant 1 : i32
        %add3A_331 = arith.addi %mul3A_311, %add3A_330 : i32
        %add3A_332 = vector.broadcast %add3A_331 : i32 to vector<16xi32>
        %add3A_333 = arith.addi %add3A_332, %iota3A : vector<16xi32>
        %and3A_334 = arith.constant 63 : i32
        %and3A_335 = vector.broadcast %and3A_334 : i32 to vector<16xi32>
        %and3A_336 = arith.andi %add3A_333, %and3A_335 : vector<16xi32>
        %gather3A_337 = tpu.vector_load_idx %arg13[%add3A_282, %and3A_336] : memref<128x64xf32, #tpu.memory_space<vmem>>[vector<16xi32>, vector<16xi32>], vector<16xf32>,
        %gather3A_338 = tpu.vector_load_idx %arg14[%add3A_282, %and3A_336] : memref<128x64xf32, #tpu.memory_space<vmem>>[vector<16xi32>, vector<16xi32>], vector<16xf32>,
        %gather3A_339 = tpu.vector_load_idx %arg15[%add3A_282, %and3A_336] : memref<128x64xf32, #tpu.memory_space<vmem>>[vector<16xi32>, vector<16xi32>], vector<16xf32>,
        %gather3A_340 = tpu.vector_load_idx %arg16[%add3A_282, %and3A_336] : memref<128x64xf32, #tpu.memory_space<vmem>>[vector<16xi32>, vector<16xi32>], vector<16xf32>,
        %gather3A_341 = tpu.vector_load_idx %arg17[%add3A_282, %and3A_336] : memref<128x64xf32, #tpu.memory_space<vmem>>[vector<16xi32>, vector<16xi32>], vector<16xf32>,
        %gather3A_342 = tpu.vector_load_idx %arg18[%add3A_282, %and3A_336] : memref<128x64xf32, #tpu.memory_space<vmem>>[vector<16xi32>, vector<16xi32>], vector<16xf32>,
        %add3A_343 = arith.addf %gather3A_337, %gather3A_338 : vector<16xf32>
        %sub3A_344 = arith.subf %add3A_343, %gather3A_339 : vector<16xf32>
        %abs3A_345 = math.absf %sub3A_344 : vector<16xf32>
        %add3A_346 = arith.addf %scan3A_303, %abs3A_345 : vector<16xf32>
        %add3A_347 = arith.addf %gather3A_340, %gather3A_341 : vector<16xf32>
        %sub3A_348 = arith.subf %add3A_347, %gather3A_342 : vector<16xf32>
        %abs3A_349 = math.absf %sub3A_348 : vector<16xf32>
        %add3A_350 = arith.addf %scan3A_307, %abs3A_349 : vector<16xf32>
        %add3A_351 = arith.constant 2 : i32
        %add3A_352 = arith.addi %mul3A_311, %add3A_351 : i32
        %add3A_353 = vector.broadcast %add3A_352 : i32 to vector<16xi32>
        %add3A_354 = arith.addi %add3A_353, %iota3A : vector<16xi32>
        %and3A_355 = arith.constant 63 : i32
        %and3A_356 = vector.broadcast %and3A_355 : i32 to vector<16xi32>
        %and3A_357 = arith.andi %add3A_354, %and3A_356 : vector<16xi32>
        %gather3A_358 = tpu.vector_load_idx %arg13[%add3A_282, %and3A_357] : memref<128x64xf32, #tpu.memory_space<vmem>>[vector<16xi32>, vector<16xi32>], vector<16xf32>,
        %gather3A_359 = tpu.vector_load_idx %arg14[%add3A_282, %and3A_357] : memref<128x64xf32, #tpu.memory_space<vmem>>[vector<16xi32>, vector<16xi32>], vector<16xf32>,
        %gather3A_360 = tpu.vector_load_idx %arg15[%add3A_282, %and3A_357] : memref<128x64xf32, #tpu.memory_space<vmem>>[vector<16xi32>, vector<16xi32>], vector<16xf32>,
        %gather3A_361 = tpu.vector_load_idx %arg16[%add3A_282, %and3A_357] : memref<128x64xf32, #tpu.memory_space<vmem>>[vector<16xi32>, vector<16xi32>], vector<16xf32>,
        %gather3A_362 = tpu.vector_load_idx %arg17[%add3A_282, %and3A_357] : memref<128x64xf32, #tpu.memory_space<vmem>>[vector<16xi32>, vector<16xi32>], vector<16xf32>,
        %gather3A_363 = tpu.vector_load_idx %arg18[%add3A_282, %and3A_357] : memref<128x64xf32, #tpu.memory_space<vmem>>[vector<16xi32>, vector<16xi32>], vector<16xf32>,
        %add3A_364 = arith.addf %gather3A_358, %gather3A_359 : vector<16xf32>
        %sub3A_365 = arith.subf %add3A_364, %gather3A_360 : vector<16xf32>
        %abs3A_366 = math.absf %sub3A_365 : vector<16xf32>
        %add3A_367 = arith.addf %scan3A_304, %abs3A_366 : vector<16xf32>
        %add3A_368 = arith.addf %gather3A_361, %gather3A_362 : vector<16xf32>
        %sub3A_369 = arith.subf %add3A_368, %gather3A_363 : vector<16xf32>
        %abs3A_370 = math.absf %sub3A_369 : vector<16xf32>
        %add3A_371 = arith.addf %scan3A_308, %abs3A_370 : vector<16xf32>
        %add3A_372 = arith.constant 3 : i32
        %add3A_373 = arith.addi %mul3A_311, %add3A_372 : i32
        %add3A_374 = vector.broadcast %add3A_373 : i32 to vector<16xi32>
        %add3A_375 = arith.addi %add3A_374, %iota3A : vector<16xi32>
        %and3A_376 = arith.constant 63 : i32
        %and3A_377 = vector.broadcast %and3A_376 : i32 to vector<16xi32>
        %and3A_378 = arith.andi %add3A_375, %and3A_377 : vector<16xi32>
        %gather3A_379 = tpu.vector_load_idx %arg13[%add3A_282, %and3A_378] : memref<128x64xf32, #tpu.memory_space<vmem>>[vector<16xi32>, vector<16xi32>], vector<16xf32>,
        %gather3A_380 = tpu.vector_load_idx %arg14[%add3A_282, %and3A_378] : memref<128x64xf32, #tpu.memory_space<vmem>>[vector<16xi32>, vector<16xi32>], vector<16xf32>,
        %gather3A_381 = tpu.vector_load_idx %arg15[%add3A_282, %and3A_378] : memref<128x64xf32, #tpu.memory_space<vmem>>[vector<16xi32>, vector<16xi32>], vector<16xf32>,
        %gather3A_382 = tpu.vector_load_idx %arg16[%add3A_282, %and3A_378] : memref<128x64xf32, #tpu.memory_space<vmem>>[vector<16xi32>, vector<16xi32>], vector<16xf32>,
        %gather3A_383 = tpu.vector_load_idx %arg17[%add3A_282, %and3A_378] : memref<128x64xf32, #tpu.memory_space<vmem>>[vector<16xi32>, vector<16xi32>], vector<16xf32>,
        %gather3A_384 = tpu.vector_load_idx %arg18[%add3A_282, %and3A_378] : memref<128x64xf32, #tpu.memory_space<vmem>>[vector<16xi32>, vector<16xi32>], vector<16xf32>,
        %add3A_385 = arith.addf %gather3A_379, %gather3A_380 : vector<16xf32>
        %sub3A_386 = arith.subf %add3A_385, %gather3A_381 : vector<16xf32>
        %abs3A_387 = math.absf %sub3A_386 : vector<16xf32>
        %add3A_388 = arith.addf %scan3A_305, %abs3A_387 : vector<16xf32>
        %add3A_389 = arith.addf %gather3A_382, %gather3A_383 : vector<16xf32>
        %sub3A_390 = arith.subf %add3A_389, %gather3A_384 : vector<16xf32>
        %abs3A_391 = math.absf %sub3A_390 : vector<16xf32>
        %add3A_392 = arith.addf %scan3A_309, %abs3A_391 : vector<16xf32>
        scf.yield %add3A_325, %add3A_346, %add3A_367, %add3A_388, %add3A_329, %add3A_350, %add3A_371, %add3A_392 : vector<16xf32>, vector<16xf32>, vector<16xf32>, vector<16xf32>, vector<16xf32>, vector<16xf32>, vector<16xf32>, vector<16xf32>
      }
      %scan3A_288 = arith.constant 16 : i32
      %add3A_289 = arith.addf %scan3A_287#0, %scan3A_287#1 : vector<16xf32>
      %add3A_290 = arith.addf %scan3A_287#2, %scan3A_287#3 : vector<16xf32>
      %add3A_291 = arith.addf %add3A_289, %add3A_290 : vector<16xf32>
      %add3A_292 = arith.addf %scan3A_287#4, %scan3A_287#5 : vector<16xf32>
      %add3A_293 = arith.addf %scan3A_287#6, %scan3A_287#7 : vector<16xf32>
      %add3A_294 = arith.addf %add3A_292, %add3A_293 : vector<16xf32>
      %sub3A = arith.subf %add3A_291, %add3A_294 : vector<16xf32>
      %add3A_295 = arith.constant 1.000000e+00 : f32
      %add3A_296 = vector.broadcast %add3A_295 : f32 to vector<16xf32>
      %add3A_297 = arith.addf %sub3A, %add3A_296 : vector<16xf32>
      %max3A = arith.constant 0.000000e+00 : f32
      %max3A_298 = vector.broadcast %max3A : f32 to vector<16xf32>
      %max3A_299 = arith.maximumf %add3A_297, %max3A_298 : vector<16xf32>
      %add3A_300 = arith.addf %scan3A_278, %max3A_299 : vector<16xf32>
      scf.yield %add3A_300 : vector<16xf32>
    }
    %scan3A_236 = arith.constant 8 : i32
    %dma_wait3A_237 = arith.constant 384 : i32
    %dma_wait3A_238 = tpu.memref_slice %arg7[%dma_wait3A_237] : memref<512xi32, #tpu.memory_space<vmem>> -> memref<128xi32, #tpu.memory_space<vmem>>
    %dma_wait3A_239 = arith.constant 0 : i32
    %dma_wait3A_240 = arith.constant 0 : i32
    %dma_wait3A_241 = tpu.memref_slice %arg4[%dma_wait3A_239, %dma_wait3A_240] : memref<100000x64xf32, #tpu.memory_space<hbm>> -> memref<100000x64xf32, #tpu.memory_space<hbm>>
    tpu.wait_indirect_dma semaphore(%arg27 : memref<!tpu.dma_semaphore, #tpu.memory_space<semaphore_mem>>) src(%dma_wait3A_241 : memref<100000x64xf32, #tpu.memory_space<hbm>>) dst(%arg19 : memref<128x64xf32, #tpu.memory_space<vmem>>)
    %dma_wait3A_242 = arith.constant 384 : i32
    %dma_wait3A_243 = tpu.memref_slice %arg8[%dma_wait3A_242] : memref<512xi32, #tpu.memory_space<vmem>> -> memref<128xi32, #tpu.memory_space<vmem>>
    %dma_wait3A_244 = arith.constant 0 : i32
    %dma_wait3A_245 = arith.constant 0 : i32
    %dma_wait3A_246 = tpu.memref_slice %arg5[%dma_wait3A_244, %dma_wait3A_245] : memref<100000x64xf32, #tpu.memory_space<hbm>> -> memref<100000x64xf32, #tpu.memory_space<hbm>>
    tpu.wait_indirect_dma semaphore(%arg27 : memref<!tpu.dma_semaphore, #tpu.memory_space<semaphore_mem>>) src(%dma_wait3A_246 : memref<100000x64xf32, #tpu.memory_space<hbm>>) dst(%arg20 : memref<128x64xf32, #tpu.memory_space<vmem>>)
    %dma_wait3A_247 = arith.constant 384 : i32
    %dma_wait3A_248 = tpu.memref_slice %arg9[%dma_wait3A_247] : memref<512xi32, #tpu.memory_space<vmem>> -> memref<128xi32, #tpu.memory_space<vmem>>
    %dma_wait3A_249 = arith.constant 0 : i32
    %dma_wait3A_250 = arith.constant 0 : i32
    %dma_wait3A_251 = tpu.memref_slice %arg4[%dma_wait3A_249, %dma_wait3A_250] : memref<100000x64xf32, #tpu.memory_space<hbm>> -> memref<100000x64xf32, #tpu.memory_space<hbm>>
    tpu.wait_indirect_dma semaphore(%arg27 : memref<!tpu.dma_semaphore, #tpu.memory_space<semaphore_mem>>) src(%dma_wait3A_251 : memref<100000x64xf32, #tpu.memory_space<hbm>>) dst(%arg21 : memref<128x64xf32, #tpu.memory_space<vmem>>)
    %dma_wait3A_252 = arith.constant 384 : i32
    %dma_wait3A_253 = tpu.memref_slice %arg10[%dma_wait3A_252] : memref<512xi32, #tpu.memory_space<vmem>> -> memref<128xi32, #tpu.memory_space<vmem>>
    %dma_wait3A_254 = arith.constant 0 : i32
    %dma_wait3A_255 = arith.constant 0 : i32
    %dma_wait3A_256 = tpu.memref_slice %arg4[%dma_wait3A_254, %dma_wait3A_255] : memref<100000x64xf32, #tpu.memory_space<hbm>> -> memref<100000x64xf32, #tpu.memory_space<hbm>>
    tpu.wait_indirect_dma semaphore(%arg27 : memref<!tpu.dma_semaphore, #tpu.memory_space<semaphore_mem>>) src(%dma_wait3A_256 : memref<100000x64xf32, #tpu.memory_space<hbm>>) dst(%arg22 : memref<128x64xf32, #tpu.memory_space<vmem>>)
    %dma_wait3A_257 = arith.constant 384 : i32
    %dma_wait3A_258 = tpu.memref_slice %arg11[%dma_wait3A_257] : memref<512xi32, #tpu.memory_space<vmem>> -> memref<128xi32, #tpu.memory_space<vmem>>
    %dma_wait3A_259 = arith.constant 0 : i32
    %dma_wait3A_260 = arith.constant 0 : i32
    %dma_wait3A_261 = tpu.memref_slice %arg5[%dma_wait3A_259, %dma_wait3A_260] : memref<100000x64xf32, #tpu.memory_space<hbm>> -> memref<100000x64xf32, #tpu.memory_space<hbm>>
    tpu.wait_indirect_dma semaphore(%arg27 : memref<!tpu.dma_semaphore, #tpu.memory_space<semaphore_mem>>) src(%dma_wait3A_261 : memref<100000x64xf32, #tpu.memory_space<hbm>>) dst(%arg23 : memref<128x64xf32, #tpu.memory_space<vmem>>)
    %dma_wait3A_262 = arith.constant 384 : i32
    %dma_wait3A_263 = tpu.memref_slice %arg12[%dma_wait3A_262] : memref<512xi32, #tpu.memory_space<vmem>> -> memref<128xi32, #tpu.memory_space<vmem>>
    %dma_wait3A_264 = arith.constant 0 : i32
    %dma_wait3A_265 = arith.constant 0 : i32
    %dma_wait3A_266 = tpu.memref_slice %arg4[%dma_wait3A_264, %dma_wait3A_265] : memref<100000x64xf32, #tpu.memory_space<hbm>> -> memref<100000x64xf32, #tpu.memory_space<hbm>>
    tpu.wait_indirect_dma semaphore(%arg27 : memref<!tpu.dma_semaphore, #tpu.memory_space<semaphore_mem>>) src(%dma_wait3A_266 : memref<100000x64xf32, #tpu.memory_space<hbm>>) dst(%arg24 : memref<128x64xf32, #tpu.memory_space<vmem>>)
    %scan3A_267 = arith.constant 0 : i32
    %scan3A_268 = arith.constant 8 : i32
    %scan3A_269 = arith.addi %scan3A_267, %scan3A_268 : i32
    %scan3A_270 = arith.constant 1 : i32
    %scan3A_271 = scf.for %scan3A_277 = %scan3A_267 to %scan3A_269 step %scan3A_270 iter_args(%scan3A_278 = %scan3A_235) -> (vector<16xf32>)  : i32 {
      %mul3A_279 = arith.constant 16 : i32
      %mul3A_280 = arith.muli %scan3A_277, %mul3A_279 : i32
      %add3A_281 = vector.broadcast %mul3A_280 : i32 to vector<16xi32>
      %add3A_282 = arith.addi %add3A_281, %iota3A : vector<16xi32>
      %scan3A_283 = arith.constant 0 : i32
      %scan3A_284 = arith.constant 16 : i32
      %scan3A_285 = arith.addi %scan3A_283, %scan3A_284 : i32
      %scan3A_286 = arith.constant 1 : i32
      %scan3A_287:8 = scf.for %scan3A_301 = %scan3A_283 to %scan3A_285 step %scan3A_286 iter_args(%scan3A_302 = %broadcast_in_dim3A_3, %scan3A_303 = %broadcast_in_dim3A_3, %scan3A_304 = %broadcast_in_dim3A_3, %scan3A_305 = %broadcast_in_dim3A_3, %scan3A_306 = %broadcast_in_dim3A_3, %scan3A_307 = %broadcast_in_dim3A_3, %scan3A_308 = %broadcast_in_dim3A_3, %scan3A_309 = %broadcast_in_dim3A_3) -> (vector<16xf32>, vector<16xf32>, vector<16xf32>, vector<16xf32>, vector<16xf32>, vector<16xf32>, vector<16xf32>, vector<16xf32>)  : i32 {
        %mul3A_310 = arith.constant 4 : i32
        %mul3A_311 = arith.muli %scan3A_301, %mul3A_310 : i32
        %add3A_312 = arith.constant 0 : i32
        %add3A_313 = arith.addi %mul3A_311, %add3A_312 : i32
        %add3A_314 = vector.broadcast %add3A_313 : i32 to vector<16xi32>
        %add3A_315 = arith.addi %add3A_314, %iota3A : vector<16xi32>
        %and3A = arith.constant 63 : i32
        %and3A_316 = vector.broadcast %and3A : i32 to vector<16xi32>
        %and3A_317 = arith.andi %add3A_315, %and3A_316 : vector<16xi32>
        %gather3A = tpu.vector_load_idx %arg19[%add3A_282, %and3A_317] : memref<128x64xf32, #tpu.memory_space<vmem>>[vector<16xi32>, vector<16xi32>], vector<16xf32>,
        %gather3A_318 = tpu.vector_load_idx %arg20[%add3A_282, %and3A_317] : memref<128x64xf32, #tpu.memory_space<vmem>>[vector<16xi32>, vector<16xi32>], vector<16xf32>,
        %gather3A_319 = tpu.vector_load_idx %arg21[%add3A_282, %and3A_317] : memref<128x64xf32, #tpu.memory_space<vmem>>[vector<16xi32>, vector<16xi32>], vector<16xf32>,
        %gather3A_320 = tpu.vector_load_idx %arg22[%add3A_282, %and3A_317] : memref<128x64xf32, #tpu.memory_space<vmem>>[vector<16xi32>, vector<16xi32>], vector<16xf32>,
        %gather3A_321 = tpu.vector_load_idx %arg23[%add3A_282, %and3A_317] : memref<128x64xf32, #tpu.memory_space<vmem>>[vector<16xi32>, vector<16xi32>], vector<16xf32>,
        %gather3A_322 = tpu.vector_load_idx %arg24[%add3A_282, %and3A_317] : memref<128x64xf32, #tpu.memory_space<vmem>>[vector<16xi32>, vector<16xi32>], vector<16xf32>,
        %add3A_323 = arith.addf %gather3A, %gather3A_318 : vector<16xf32>
        %sub3A_324 = arith.subf %add3A_323, %gather3A_319 : vector<16xf32>
        %abs3A = math.absf %sub3A_324 : vector<16xf32>
        %add3A_325 = arith.addf %scan3A_302, %abs3A : vector<16xf32>
        %add3A_326 = arith.addf %gather3A_320, %gather3A_321 : vector<16xf32>
        %sub3A_327 = arith.subf %add3A_326, %gather3A_322 : vector<16xf32>
        %abs3A_328 = math.absf %sub3A_327 : vector<16xf32>
        %add3A_329 = arith.addf %scan3A_306, %abs3A_328 : vector<16xf32>
        %add3A_330 = arith.constant 1 : i32
        %add3A_331 = arith.addi %mul3A_311, %add3A_330 : i32
        %add3A_332 = vector.broadcast %add3A_331 : i32 to vector<16xi32>
        %add3A_333 = arith.addi %add3A_332, %iota3A : vector<16xi32>
        %and3A_334 = arith.constant 63 : i32
        %and3A_335 = vector.broadcast %and3A_334 : i32 to vector<16xi32>
        %and3A_336 = arith.andi %add3A_333, %and3A_335 : vector<16xi32>
        %gather3A_337 = tpu.vector_load_idx %arg19[%add3A_282, %and3A_336] : memref<128x64xf32, #tpu.memory_space<vmem>>[vector<16xi32>, vector<16xi32>], vector<16xf32>,
        %gather3A_338 = tpu.vector_load_idx %arg20[%add3A_282, %and3A_336] : memref<128x64xf32, #tpu.memory_space<vmem>>[vector<16xi32>, vector<16xi32>], vector<16xf32>,
        %gather3A_339 = tpu.vector_load_idx %arg21[%add3A_282, %and3A_336] : memref<128x64xf32, #tpu.memory_space<vmem>>[vector<16xi32>, vector<16xi32>], vector<16xf32>,
        %gather3A_340 = tpu.vector_load_idx %arg22[%add3A_282, %and3A_336] : memref<128x64xf32, #tpu.memory_space<vmem>>[vector<16xi32>, vector<16xi32>], vector<16xf32>,
        %gather3A_341 = tpu.vector_load_idx %arg23[%add3A_282, %and3A_336] : memref<128x64xf32, #tpu.memory_space<vmem>>[vector<16xi32>, vector<16xi32>], vector<16xf32>,
        %gather3A_342 = tpu.vector_load_idx %arg24[%add3A_282, %and3A_336] : memref<128x64xf32, #tpu.memory_space<vmem>>[vector<16xi32>, vector<16xi32>], vector<16xf32>,
        %add3A_343 = arith.addf %gather3A_337, %gather3A_338 : vector<16xf32>
        %sub3A_344 = arith.subf %add3A_343, %gather3A_339 : vector<16xf32>
        %abs3A_345 = math.absf %sub3A_344 : vector<16xf32>
        %add3A_346 = arith.addf %scan3A_303, %abs3A_345 : vector<16xf32>
        %add3A_347 = arith.addf %gather3A_340, %gather3A_341 : vector<16xf32>
        %sub3A_348 = arith.subf %add3A_347, %gather3A_342 : vector<16xf32>
        %abs3A_349 = math.absf %sub3A_348 : vector<16xf32>
        %add3A_350 = arith.addf %scan3A_307, %abs3A_349 : vector<16xf32>
        %add3A_351 = arith.constant 2 : i32
        %add3A_352 = arith.addi %mul3A_311, %add3A_351 : i32
        %add3A_353 = vector.broadcast %add3A_352 : i32 to vector<16xi32>
        %add3A_354 = arith.addi %add3A_353, %iota3A : vector<16xi32>
        %and3A_355 = arith.constant 63 : i32
        %and3A_356 = vector.broadcast %and3A_355 : i32 to vector<16xi32>
        %and3A_357 = arith.andi %add3A_354, %and3A_356 : vector<16xi32>
        %gather3A_358 = tpu.vector_load_idx %arg19[%add3A_282, %and3A_357] : memref<128x64xf32, #tpu.memory_space<vmem>>[vector<16xi32>, vector<16xi32>], vector<16xf32>,
        %gather3A_359 = tpu.vector_load_idx %arg20[%add3A_282, %and3A_357] : memref<128x64xf32, #tpu.memory_space<vmem>>[vector<16xi32>, vector<16xi32>], vector<16xf32>,
        %gather3A_360 = tpu.vector_load_idx %arg21[%add3A_282, %and3A_357] : memref<128x64xf32, #tpu.memory_space<vmem>>[vector<16xi32>, vector<16xi32>], vector<16xf32>,
        %gather3A_361 = tpu.vector_load_idx %arg22[%add3A_282, %and3A_357] : memref<128x64xf32, #tpu.memory_space<vmem>>[vector<16xi32>, vector<16xi32>], vector<16xf32>,
        %gather3A_362 = tpu.vector_load_idx %arg23[%add3A_282, %and3A_357] : memref<128x64xf32, #tpu.memory_space<vmem>>[vector<16xi32>, vector<16xi32>], vector<16xf32>,
        %gather3A_363 = tpu.vector_load_idx %arg24[%add3A_282, %and3A_357] : memref<128x64xf32, #tpu.memory_space<vmem>>[vector<16xi32>, vector<16xi32>], vector<16xf32>,
        %add3A_364 = arith.addf %gather3A_358, %gather3A_359 : vector<16xf32>
        %sub3A_365 = arith.subf %add3A_364, %gather3A_360 : vector<16xf32>
        %abs3A_366 = math.absf %sub3A_365 : vector<16xf32>
        %add3A_367 = arith.addf %scan3A_304, %abs3A_366 : vector<16xf32>
        %add3A_368 = arith.addf %gather3A_361, %gather3A_362 : vector<16xf32>
        %sub3A_369 = arith.subf %add3A_368, %gather3A_363 : vector<16xf32>
        %abs3A_370 = math.absf %sub3A_369 : vector<16xf32>
        %add3A_371 = arith.addf %scan3A_308, %abs3A_370 : vector<16xf32>
        %add3A_372 = arith.constant 3 : i32
        %add3A_373 = arith.addi %mul3A_311, %add3A_372 : i32
        %add3A_374 = vector.broadcast %add3A_373 : i32 to vector<16xi32>
        %add3A_375 = arith.addi %add3A_374, %iota3A : vector<16xi32>
        %and3A_376 = arith.constant 63 : i32
        %and3A_377 = vector.broadcast %and3A_376 : i32 to vector<16xi32>
        %and3A_378 = arith.andi %add3A_375, %and3A_377 : vector<16xi32>
        %gather3A_379 = tpu.vector_load_idx %arg19[%add3A_282, %and3A_378] : memref<128x64xf32, #tpu.memory_space<vmem>>[vector<16xi32>, vector<16xi32>], vector<16xf32>,
        %gather3A_380 = tpu.vector_load_idx %arg20[%add3A_282, %and3A_378] : memref<128x64xf32, #tpu.memory_space<vmem>>[vector<16xi32>, vector<16xi32>], vector<16xf32>,
        %gather3A_381 = tpu.vector_load_idx %arg21[%add3A_282, %and3A_378] : memref<128x64xf32, #tpu.memory_space<vmem>>[vector<16xi32>, vector<16xi32>], vector<16xf32>,
        %gather3A_382 = tpu.vector_load_idx %arg22[%add3A_282, %and3A_378] : memref<128x64xf32, #tpu.memory_space<vmem>>[vector<16xi32>, vector<16xi32>], vector<16xf32>,
        %gather3A_383 = tpu.vector_load_idx %arg23[%add3A_282, %and3A_378] : memref<128x64xf32, #tpu.memory_space<vmem>>[vector<16xi32>, vector<16xi32>], vector<16xf32>,
        %gather3A_384 = tpu.vector_load_idx %arg24[%add3A_282, %and3A_378] : memref<128x64xf32, #tpu.memory_space<vmem>>[vector<16xi32>, vector<16xi32>], vector<16xf32>,
        %add3A_385 = arith.addf %gather3A_379, %gather3A_380 : vector<16xf32>
        %sub3A_386 = arith.subf %add3A_385, %gather3A_381 : vector<16xf32>
        %abs3A_387 = math.absf %sub3A_386 : vector<16xf32>
        %add3A_388 = arith.addf %scan3A_305, %abs3A_387 : vector<16xf32>
        %add3A_389 = arith.addf %gather3A_382, %gather3A_383 : vector<16xf32>
        %sub3A_390 = arith.subf %add3A_389, %gather3A_384 : vector<16xf32>
        %abs3A_391 = math.absf %sub3A_390 : vector<16xf32>
        %add3A_392 = arith.addf %scan3A_309, %abs3A_391 : vector<16xf32>
        scf.yield %add3A_325, %add3A_346, %add3A_367, %add3A_388, %add3A_329, %add3A_350, %add3A_371, %add3A_392 : vector<16xf32>, vector<16xf32>, vector<16xf32>, vector<16xf32>, vector<16xf32>, vector<16xf32>, vector<16xf32>, vector<16xf32>
      }
      %scan3A_288 = arith.constant 16 : i32
      %add3A_289 = arith.addf %scan3A_287#0, %scan3A_287#1 : vector<16xf32>
      %add3A_290 = arith.addf %scan3A_287#2, %scan3A_287#3 : vector<16xf32>
      %add3A_291 = arith.addf %add3A_289, %add3A_290 : vector<16xf32>
      %add3A_292 = arith.addf %scan3A_287#4, %scan3A_287#5 : vector<16xf32>
      %add3A_293 = arith.addf %scan3A_287#6, %scan3A_287#7 : vector<16xf32>
      %add3A_294 = arith.addf %add3A_292, %add3A_293 : vector<16xf32>
      %sub3A = arith.subf %add3A_291, %add3A_294 : vector<16xf32>
      %add3A_295 = arith.constant 1.000000e+00 : f32
      %add3A_296 = vector.broadcast %add3A_295 : f32 to vector<16xf32>
      %add3A_297 = arith.addf %sub3A, %add3A_296 : vector<16xf32>
      %max3A = arith.constant 0.000000e+00 : f32
      %max3A_298 = vector.broadcast %max3A : f32 to vector<16xf32>
      %max3A_299 = arith.maximumf %add3A_297, %max3A_298 : vector<16xf32>
      %add3A_300 = arith.addf %scan3A_278, %max3A_299 : vector<16xf32>
      scf.yield %add3A_300 : vector<16xf32>
    }
    %scan3A_272 = arith.constant 8 : i32
    %mul3A_273 = arith.constant 6.10351563E-5 : f32
    %mul3A_274 = vector.broadcast %mul3A_273 : f32 to vector<16xf32>
    %mul3A_275 = arith.mulf %scan3A_271, %mul3A_274 : vector<16xf32>
    %swap3A = arith.constant 0 : index
    %swap3A_276 = tpu.vector_load %arg25[%swap3A] {strides = array<i32>} : memref<16xf32, #tpu.memory_space<vmem>>, vector<16xf32>,
    tpu.vector_store %arg25[%swap3A], %mul3A_275 {strides = array<i32>} : memref<16xf32, #tpu.memory_space<vmem>>, vector<16xf32>,
    "tpu.region"() ({
      %run_scoped3A = tpu.sem_alloc : memref<!tpu.dma_semaphore, #tpu.memory_space<semaphore_mem>>
      %dma_start3A_277 = arith.constant 0 : i32
      %dma_start3A_278 = tpu.memref_slice %arg6[%add3A, %dma_start3A_277] : memref<32x16xf32, #tpu.memory_space<hbm>> -> memref<1x16xf32, #tpu.memory_space<hbm>>
      %dma_start3A_279 = tpu.memref_squeeze %dma_start3A_278 : memref<1x16xf32, #tpu.memory_space<hbm>> -> memref<16xf32, #tpu.memory_space<hbm>>
      %dma_start3A_280 = arith.constant 0 : i32
      %dma_start3A_281 = tpu.memref_slice %arg6[%add3A, %dma_start3A_280] : memref<32x16xf32, #tpu.memory_space<hbm>> -> memref<1x16xf32, #tpu.memory_space<hbm>>
      %dma_start3A_282 = tpu.memref_squeeze %dma_start3A_281 : memref<1x16xf32, #tpu.memory_space<hbm>> -> memref<16xf32, #tpu.memory_space<hbm>>
      tpu.enqueue_dma source(%arg25 : memref<16xf32, #tpu.memory_space<vmem>>) target(%dma_start3A_282 : memref<16xf32, #tpu.memory_space<hbm>>) target_semaphore(%run_scoped3A : memref<!tpu.dma_semaphore, #tpu.memory_space<semaphore_mem>>)
      %dma_wait3A_283 = arith.constant 0 : i32
      %dma_wait3A_284 = tpu.memref_slice %arg6[%add3A, %dma_wait3A_283] : memref<32x16xf32, #tpu.memory_space<hbm>> -> memref<1x16xf32, #tpu.memory_space<hbm>>
      %dma_wait3A_285 = tpu.memref_squeeze %dma_wait3A_284 : memref<1x16xf32, #tpu.memory_space<hbm>> -> memref<16xf32, #tpu.memory_space<hbm>>
      %dma_wait3A_286 = arith.constant 0 : i32
      %dma_wait3A_287 = tpu.memref_slice %arg6[%add3A, %dma_wait3A_286] : memref<32x16xf32, #tpu.memory_space<hbm>> -> memref<1x16xf32, #tpu.memory_space<hbm>>
      %dma_wait3A_288 = tpu.memref_squeeze %dma_wait3A_287 : memref<1x16xf32, #tpu.memory_space<hbm>> -> memref<16xf32, #tpu.memory_space<hbm>>
      tpu.wait_dma2 semaphore(%run_scoped3A : memref<!tpu.dma_semaphore, #tpu.memory_space<semaphore_mem>>) src(%arg25 : memref<16xf32, #tpu.memory_space<vmem>>) dst(%dma_wait3A_288 : memref<16xf32, #tpu.memory_space<hbm>>)
      tpu.yield
    }) : () -> ()
    return
  }
}

</mosaic_0001>

<sc_bundles>
// kernel: kernel.3.cloned.1.call-start
scs
__scs_entry_jumppad:
0x0: {  	(pc) =	sbr.rel $0x88, $3  }
0x1: {  	(tag) =	ssettag $0x0;
	lr =	simm.s32 $0x1  }
0x2: {  	[smem:$0x3F9D] =	sst lr;
	_ =	strace $0xD0000000  }
0x3: {  	_ = 	snop  }
0x4: {  	_ = 	snop  }
0x5: {  	_ = 	snop  }
0x6: {  	_ = 	snop  }
0x7: {  	_ = 	snop  }
__scs_overlays_trampoline_lowered:
0x8: {  	[smem:$0x3FAC] =	sst s0  }
0x9: {  	[smem:$0x3FAD] =	sst s1  }
0xa: {  	[smem:$0x3FAE] =	sst s2  }
0xb: {  	[smem:$0x3FAF] =	sst s3  }
0xc: {  	[smem:$0x3FB0] =	sst s4  }
0xd: {  	[smem:$0x3FB1] =	sst s5  }
0xe: {  	[smem:$0x3FB2] =	sst s6  }
0xf: {  	[smem:$0x3FB3] =	sst s7  }
0x10: {  	[smem:$0x3FB4] =	sst s8  }
0x11: {  	[smem:$0x3FB5] =	sst s9;
	s0 =	simm.s32 @!p0 $0x0  }
0x12: {  	s1 =	sld [smem:$0x3F9B];
	s0 =	simm.s32 @p0 $0x1  }
0x13: {  	[smem:$0x3FB6] =	sst s0;
	s0 =	simm.s32 @!p1 $0x0  }
0x14: {  	s2 =	sld [smem:$0x3F9A];
	s0 =	simm.s32 @p1 $0x1  }
0x15: {  	[smem:$0x3FB7] =	sst s0;
	s0 =	simm.s32 @!p2 $0x0  }
0x16: {  	s3 =	sld [smem:$0x3FDB];
	s0 =	simm.s32 @p2 $0x1  }
0x17: {  	s4 =	simm.s32 $0x1BF5;
	[smem:$0x3FB9] =	sst s0  }
0x18: {  	s0 =	sld [smem:$0x3F9C];
	_ =	swait.ge [sflag:s4], $0x0  }
0x19: {  	s7 =	sld [smem:$0x3F9D]  }
0x1a: {  	s8 =	sadd.s32 $0xFFFFE003, lr  }
0x1b: {  	s9 =	sadd.s32 $0xFFFFFEF7, lr;
	s5 =	simm.s32 $0xFFFFFFFF;
	p2 =	slt.u32 s8, $0xFFFFF086  }
0x1c: {  	p1 =	slt.u32 s9, $0xF7A;
	s5 =	simm.s32 @!p2 $0x0  }
0x1d: {  	s5 =	simm.s32 @p1 $0x1;
	p0 =	seq.s32 s7, s2  }
0x1e: {  	s7 =	smul.u32 @!p0 $0xF7A, s2;
	p2 =	seq.s32 @!p0 s5, $0x0  }
0x1f: {  	s9 =	smul.u32 $0xF7A, s1;
	s8 =	simm.s32 @!p0 $0x1BF5;
	p2 =	por !p2, p0  }
0x20: {  	[sflag:s8] =	ssyncset.s32 @!p0 $0xFFFFF086;
	s6 =	sadd.s32 @!p0 s3, s7;
	s7 =	simm.s32 @!p0 $0x108  }
0x21: {  	s3 =	sadd.s32 s3, s9;
	s6 =	sadd.s32 @!p0 $0x88, s6;
	s7 =	simm.s32 @p2 $0x1082  }
0x22: {  	[simem:s7], [sflag:s8] =	dma.local @!p0 [hbm:s6], $0xF7A  }
0x23: {  	s9 =	sor.u32 $0xD0000000, s2;
	s6 =	simm.s32 $0x108;
	_ =	swait.ge @!p0 [sflag:s8], $0x0  }
0x24: {  	s3 =	sadd.s32 $0x88, s3;
	s6 =	simm.s32 @!p1 $0x1082;
	[sflag:s4] =	ssyncset.s32 $0xFFFFF086  }
0x25: {  	[simem:s6], [sflag:s4] =	dma.local [hbm:s3], $0xF7A  }
0x26: {  	[smem:$0x3F9D] =	sst s1;
	(tag) =	ssettag s2;
	_ =	strace s9  }
0x27: {  	s1 =	sld [smem:$0x3FAD]  }
0x28: {  	s2 =	sld [smem:$0x3FAE]  }
0x29: {  	s4 =	sld [smem:$0x3FB0]  }
0x2a: {  	p0 =	seq.s32 s5, $0x0;
	s5 =	sld [smem:$0x3FB1]  }
0x2b: {  	s6 =	sld [smem:$0x3FB2]  }
0x2c: {  	s7 =	sld [smem:$0x3FB3]  }
0x2d: {  	s3 =	simm.s32 $0x108;
	s8 =	sld [smem:$0x3FB4]  }
0x2e: {  	s3 =	simm.s32 @!p0 $0x1082;
	s9 =	sld [smem:$0x3FB5]  }
0x2f: {  	lr =	sadd.s32 s0, s3;
	s0 =	sld [smem:$0x3FAC]  }
0x30: {  	s3 =	sld [smem:$0x3FAF]  }
0x31: {  	[smem:$0x3FB8] =	sst s10  }
0x32: {  	s10 =	sld [smem:$0x3FB6];
	_ =	sdelay $0x3  }
0x33: {  	p0 =	seq.s32 s10, $0x1;
	s10 =	sld [smem:$0x3FB8];
	_ =	sdelay $0x3  }
0x34: {  	[smem:$0x3FB8] =	sst s10  }
0x35: {  	s10 =	sld [smem:$0x3FB7];
	_ =	sdelay $0x3  }
0x36: {  	p1 =	seq.s32 s10, $0x1;
	s10 =	sld [smem:$0x3FB8];
	_ =	sdelay $0x3  }
0x37: {  	[smem:$0x3FB8] =	sst s10  }
0x38: {  	s10 =	sld [smem:$0x3FB9]  }
0x39: {  	_ = 	snop;
	(pc) =	sbr.ind lr, $3  }
0x3a: {  	_ = 	snop  }
0x3b: {  	_ = 	snop  }
0x3c: {  	p2 =	seq.s32 s10, $0x1;
	s10 =	sld [smem:$0x3FB8]  }
0x3d: {  	_ =	shalt  }
0x3e: {  	_ =	shalt  }
0x3f: {  	_ =	shalt  }
0x40: {  	_ =	shalt  }
0x41: {  	_ =	shalt  }
0x42: {  	_ =	shalt  }
0x43: {  	_ =	shalt  }
0x44: {  	_ =	shalt  }
0x45: {  	_ =	shalt  }
0x46: {  	_ =	shalt  }
0x47: {  	_ =	shalt  }
0x48: {  	_ =	shalt  }
0x49: {  	_ =	shalt  }
0x4a: {  	_ =	shalt  }
0x4b: {  	_ =	shalt  }
0x4c: {  	_ =	shalt  }
0x4d: {  	_ =	shalt  }
0x4e: {  	_ =	shalt  }
0x4f: {  	_ =	shalt  }
0x50: {  	_ =	shalt  }
0x51: {  	_ =	shalt  }
0x52: {  	_ =	shalt  }
0x53: {  	_ =	shalt  }
0x54: {  	_ =	shalt  }
0x55: {  	_ =	shalt  }
0x56: {  	_ =	shalt  }
0x57: {  	_ =	shalt  }
0x58: {  	_ =	shalt  }
0x59: {  	_ =	shalt  }
0x5a: {  	_ =	shalt  }
0x5b: {  	_ =	shalt  }
0x5c: {  	_ =	shalt  }
0x5d: {  	_ =	shalt  }
0x5e: {  	_ =	shalt  }
0x5f: {  	_ =	shalt  }
0x60: {  	_ =	shalt  }
0x61: {  	_ =	shalt  }
0x62: {  	_ =	shalt  }
0x63: {  	_ =	shalt  }
0x64: {  	_ =	shalt  }
0x65: {  	_ =	shalt  }
0x66: {  	_ =	shalt  }
0x67: {  	_ =	shalt  }
0x68: {  	_ =	shalt  }
0x69: {  	_ =	shalt  }
0x6a: {  	_ =	shalt  }
0x6b: {  	_ =	shalt  }
0x6c: {  	_ =	shalt  }
0x6d: {  	_ =	shalt  }
0x6e: {  	_ =	shalt  }
0x6f: {  	_ =	shalt  }
0x70: {  	_ =	shalt  }
0x71: {  	_ =	shalt  }
0x72: {  	_ =	shalt  }
0x73: {  	_ =	shalt  }
0x74: {  	_ =	shalt  }
0x75: {  	_ =	shalt  }
0x76: {  	_ =	shalt  }
0x77: {  	_ =	shalt  }
0x78: {  	_ =	shalt  }
0x79: {  	_ =	shalt  }
0x7a: {  	_ =	shalt  }
0x7b: {  	_ =	shalt  }
0x7c: {  	_ =	shalt  }
0x7d: {  	_ =	shalt  }
0x7e: {  	_ =	shalt  }
0x7f: {  	_ =	shalt  }
0x80: {  	_ =	shalt  }
0x81: {  	_ =	shalt  }
0x82: {  	_ =	shalt  }
0x83: {  	_ =	shalt  }
0x84: {  	_ =	shalt  }
0x85: {  	_ =	shalt  }
0x86: {  	_ =	shalt  }
0x87: {  	_ =	shalt  }
.Lfunc_end0:
.L_simem_size_0:
called_computation_lowered:
.L_overlay_start_0:
0x88: {  	s2 =	sld [smem:$0x3FD9]  }
0x89: {  	s3 =	sld [smem:$0x3FFE];
	_ =	sdelay $0x1  }
0x8a: {  	s1 =	srdreg.scid  }
0x8b: {  	s0 =	sand.u32 $0x1, s1  }
0x8c: {  	s16 =	sshll.u32 s0, $0xA;
	s2 =	sadd.s32 s3, s2  }
0x8d: {  	s2 =	sadd.s32 s2, s16  }
0x8e: {  	[smem:$0x3FC4] =	sst s2  }
0x8f: {  	_ = 	snop  }
0x90: {  	(tm) =	ssettm $0x1  }
0x91: {  	s17 =	sld [smem:$0x3FFB];
	_ =	sdelay $0x3  }
0x92: {  	_ =	strace s17  }
0x93: {  	s2 =	sld [smem:$0x3FFC];
	_ =	sdelay $0x3  }
0x94: {  	_ =	strace s2  }
0x95: {  	s2 =	sld [smem:$0x3FFD];
	_ =	sdelay $0x3  }
0x96: {  	_ =	strace s2  }
0x97: {  	_ =	strace $0x8FFFFFFF  }
0x98: {  	s18 =	sld [smem:$0x3FDB];
	_ =	sdelay $0x1  }
0x99: {  	s19 =	simm.s32 $_scs_section_size  }
0x9a: {  	s4 =	simm.s32 $_size__tile_overlayer_lowered;
	s5 =	simm.s32 $_tile_overlayer_lowered  }
0x9b: {  	s22 =	simm.s32 $0x1BFF;
	s21 =	sshll.u32 s5, $0x1;
	s2 =	sadd.s32 s19, s18  }
0x9c: {  	s6 =	simm.s32 $0x0;
	s20 =	sshll.u32 s4, $0x1;
	s4 =	sadd.s32 s21, s2  }
0x9d: {  	[timem:s6], [sflag:s22] =	dma.local [hbm:s4], s20  }
0x9e: {  	_ =	swait.ge [sflag:s22], s20  }
0x9f: {  	s3 =	ssub.s32 $0x0, s20;
	[sflag:s22] =	ssyncset.done $0x0  }
0xa0: {  	[sflag:s22] =	ssyncadd.s32 s3;
	_ =	sdelay $0x1  }
0xa1: {  	s23 =	simm.s32 $0x1B8B  }
0xa2: {  	_ =	swait.ge [sflag:s23], $0x1  }
0xa3: {  	[sflag:s23] =	ssyncset.done $0x0  }
0xa4: {  	s25 =	simm.s32 $0x1B8E;
	s24 =	sld [smem:$0x3FFE];
	[sflag:s23] =	ssyncadd.s32 $0xFFFFFFFF  }
0xa5: {  	s26 =	simm.s32 $execute0_lowered;
	[smem:$0x3FD2] =	sst s25  }
0xa6: {  	s4 =	sshll.u32 s26, $0x1;
	_ =	strace $0x80000046;
	[dreg:$0x1] =	wrdreg $0xFFFFFFFF  }
0xa7: {  	s28 =	simm.s32 $_size_execute0_lowered;
	s2 =	sadd.s32 s2, s4;
	[dreg:$0x0] =	wrdreg $0x0  }
0xa8: {  	s4 =	sshll.u32 s28, $0x1;
	[dreg:$0x2] =	wrdreg s2  }
0xa9: {  	[dreg:$0x3] =	wrdreg s4  }
0xaa: {  	[dreg:$0x4] =	wrdreg $0xC0  }
0xab: {  	_ =	task [dreg:s6], $0x5FFFF  }
0xac: {  	[dreg:$0x1] =	wrdreg $0xFFFFFFFF  }
0xad: {  	[dreg:$0x0] =	wrdreg $0x60  }
0xae: {  	[dreg:$0x2] =	wrdreg s24  }
0xaf: {  	[dreg:$0x3] =	wrdreg $0x9  }
0xb0: {  	_ =	task.clear_ibuf [dreg:s6], $0x4FFFF;
	_ =	strace $0x90000046  }
0xb1: {  	s29 =	simm.s32 $0x9;
	_ =	strace $0x80000048  }
0xb2: {  	_ =	swait.ge [sflag:s29], $0x1  }
0xb3: {  	[sflag:s29] =	ssyncadd.s32 $0xFFFFFFFF  }
0xb4: {  	_ =	strace $0x90000048  }
0xb5: {  	_ =	sfence  }
0xb6: {  	s30 =	sld [smem:$0x0];
	_ =	sdelay $0x2  }
0xb7: {  	s31 =	sshll.u32 s1, $0xD;
	s1 =	sshrl.u32 s1, $0x2  }
0xb8: {  	s3 =	sand.u32 $0x4000, s31;
	s1 =	sadd.s32 s1, s30  }
0xb9: {  	s0 =	sor.u32 s3, s0;
	s1 =	sshll.u32 s1, $0x11  }
0xba: {  	s0 =	sor.u32 s1, s0  }
0xbb: {  	s0 =	sadd.s32 $0x8F2B, s0  }
0xbc: {  	[sflag:s0] =	ssyncadd.remote.s32 $0x1  }
0xbd: {  	_ =	sfence.sel $0xFFFF  }
0xbe: {  	[dreg:$0x0] =	wrdreg $0xFFFFFFFF;
	(pc) =	sbr.abs _section_cstart, $3  }
0xbf: {  	[dreg:$0x1] =	wrdreg $0xFFFFFFFF  }
0xc0: {  	_ =	task.clear_ibuf [dreg:s6], $0x2FFFF;
	_ =	strace $0x9FFFFFFF  }
0xc1: {  	(tm) =	ssettm $0x7FFFFFFF  }
tec
execute0_lowered:
.L_overlay_start_1:
0x0: {  	(tag) =	ssettag $0x1  }
0x1: {  	s0 =	rddreg [dreg:$0x0];
	s2 =	simm.s32 $0x0;
	s1 =	srdreg.scid  }
0x2: {  	s3 =	stileid.u32;
	s13 =	simm.s32 $0x3;
	s19 =	simm.s32 $0x80  }
0x3: {  	s20 =	simm.s32 $0xC00;
	s21 =	simm.s32 $0x2C00;
	s22 =	simm.s32 $0x4C00  }
0x4: {  	s23 =	simm.s32 $0x6C00;
	s24 =	simm.s32 $0x8C00;
	s28 =	simm.s32 $0xCC00  }
0x5: {  	s30 =	simm.s32 $0xEC00;
	s29 =	simm.s32 $0x12C00;
	s31 =	simm.s32 $0x16C00  }
0x6: {  	s14 =	simm.s32 $0x2;
	s15 =	simm.s32 $0x0;
	[smem:$0x7FF] =	sst s2  }
0x7: {  	s7 =	sadd.s32 $0x3800, s0;
	s1 =	sand.u32 $0x1, s1;
	s4 =	sshll.u32 s3, $0x1  }
0x8: {  	s10 =	sadd.s32 $0x2000, s0;
	s3 =	sadd.s32 $0x24C000, s0;
	_ =	strace $0x80000047  }
0x9: {  	s5 =	sor.u32 s1, s4;
	s4 =	sadd.s32 $0x188A00, s0;
	s1 =	ssub.s32 $0x2, s1  }
0xa: {  	s6 =	sshll.u32 s5, $0x1;
	s25 =	sshrl.u32 s1, $0x1;
	s8 =	sshll.u32 s5, $0x6  }
0xb: {  	s0 =	sadd.s32 s6, s0;
	s1 =	ssub.s32 s1, s25;
	s9 =	sor.u32 $0x800, s8  }
0xc: {  	s11 =	sor.u32 $0x1000, s8;
	s5 =	sadd.s32 s7, s8;
	s8 =	sadd.s32 s10, s8  }
0xd: {  	s25 =	simm.s32 $0xAC00;
	[dreg:$0x2] =	wrdreg s5;
	s26 =	sadd.s32 s7, s9  }
0xe: {  	s7 =	sadd.s32 s7, s11;
	s9 =	sadd.s32 s10, s9;
	s10 =	sadd.s32 s10, s11  }
0xf: {  	v0 =	vlaneseq.u32;
	s11 =	sadd.s32 $0x5000, s0;
	s12 =	smax.u32 s1, $0x1;
	s0 =	simm.s32 $0x10C00  }
0x10: {  	v1 =	vmul.u32 $0x40, v0;
	s1 =	simm.s32 $0x14C00;
	[dreg:$0x3] =	wrdreg s26;
	s26 =	simm.s32 $0x1  }
.LBB2_1:
0x11: {  	s5 =	rddreg [dreg:$0x2]  }
0x12: {  	[tilespmem:s2], [sflag:$0x3] =	stream.linear.gather [hbm4b:s5+s2], $0x200, $0x38;
	[tilespmem:$0x18C10] =	vst v63  }
0x13: {  	_ =	swait.ge [sflag:s13], $0x200  }
0x14: {  	[sflag:s13] =	ssyncset.done $0x0  }
0x15: {  	s5 =	simm.s32 $0x200;
	s6 =	rddreg [dreg:$0x3];
	[sflag:s13] =	ssyncadd.s32 $0xFFFFFE00  }
0x16: {  	[tilespmem:s5], [sflag:$0x3] =	stream.linear.gather [hbm4b:s6+s2], $0x200, $0x38;
	[tilespmem:$0x18C10] =	vst v63  }
0x17: {  	_ =	swait.ge [sflag:s13], $0x200  }
0x18: {  	[sflag:s13] =	ssyncset.done $0x0  }
0x19: {  	s16 =	simm.s32 $0x400;
	[sflag:s13] =	ssyncadd.s32 $0xFFFFFE00  }
0x1a: {  	[tilespmem:s16], [sflag:$0x3] =	stream.linear.gather [hbm4b:s7+s2], $0x200, $0x38;
	[tilespmem:$0x18C10] =	vst v63  }
0x1b: {  	_ =	swait.ge [sflag:s13], $0x200  }
0x1c: {  	[sflag:s13] =	ssyncset.done $0x0  }
0x1d: {  	s17 =	simm.s32 $0x600;
	[sflag:s13] =	ssyncadd.s32 $0xFFFFFE00  }
0x1e: {  	[tilespmem:s17], [sflag:$0x3] =	stream.linear.gather [hbm4b:s8+s2], $0x200, $0x38;
	[tilespmem:$0x18C10] =	vst v63  }
0x1f: {  	_ =	swait.ge [sflag:s13], $0x200  }
0x20: {  	[sflag:s13] =	ssyncset.done $0x0  }
0x21: {  	s18 =	simm.s32 $0x800;
	[sflag:s13] =	ssyncadd.s32 $0xFFFFFE00  }
0x22: {  	[tilespmem:s18], [sflag:$0x3] =	stream.linear.gather [hbm4b:s9+s2], $0x200, $0x38;
	[tilespmem:$0x18C10] =	vst v63  }
0x23: {  	_ =	swait.ge [sflag:s13], $0x200  }
0x24: {  	[sflag:s13] =	ssyncset.done $0x0  }
0x25: {  	s6 =	simm.s32 $0xA00;
	[sflag:s13] =	ssyncadd.s32 $0xFFFFFE00  }
0x26: {  	[tilespmem:s6], [sflag:$0x3] =	stream.linear.gather [hbm4b:s10+s2], $0x200, $0x38;
	[tilespmem:$0x18C10] =	vst v63  }
0x27: {  	_ =	swait.ge [sflag:s13], $0x200  }
0x28: {  	[sflag:s13] =	ssyncset.done $0x0  }
0x29: {  	[sflag:s13] =	ssyncadd.s32 $0xFFFFFE00  }
0x2a: {  	[tilespmem:s20], [sflag:$0x1] =	stream.indirect.gather [hbm4b:s3+s19], $0x40, s2, s19, $0xb8;
	[tilespmem:$0x18C10] =	vst v63  }
0x2b: {  	_ = 	snop  }
0x2c: {  	[tilespmem:s21], [sflag:$0x1] =	stream.indirect.gather [hbm4b:s4+s19], $0x40, s5, s19, $0xb8;
	[tilespmem:$0x18C10] =	vst v63  }
0x2d: {  	_ = 	snop  }
0x2e: {  	[tilespmem:s22], [sflag:$0x1] =	stream.indirect.gather [hbm4b:s3+s19], $0x40, s16, s19, $0xb8;
	[tilespmem:$0x18C10] =	vst v63  }
0x2f: {  	_ = 	snop  }
0x30: {  	[tilespmem:s23], [sflag:$0x1] =	stream.indirect.gather [hbm4b:s3+s19], $0x40, s17, s19, $0xb8;
	[tilespmem:$0x18C10] =	vst v63  }
0x31: {  	_ = 	snop  }
0x32: {  	[tilespmem:s24], [sflag:$0x1] =	stream.indirect.gather [hbm4b:s4+s19], $0x40, s18, s19, $0xb8;
	[tilespmem:$0x18C10] =	vst v63  }
0x33: {  	_ = 	snop  }
0x34: {  	[tilespmem:s25], [sflag:$0x1] =	stream.indirect.gather [hbm4b:s3+s19], $0x40, s6, s19, $0xb8;
	[tilespmem:$0x18C10] =	vst v63  }
0x35: {  	_ =	swait.ge [sflag:s26], $0x2000  }
0x36: {  	[sflag:s26] =	ssyncset.done $0x0  }
0x37: {  	[sflag:s26] =	ssyncadd.s32 $0xFFFFE000  }
0x38: {  	_ =	swait.ge [sflag:s26], $0x2000  }
0x39: {  	[sflag:s26] =	ssyncset.done $0x0  }
0x3a: {  	[sflag:s26] =	ssyncadd.s32 $0xFFFFE000  }
0x3b: {  	_ =	swait.ge [sflag:s26], $0x2000  }
0x3c: {  	[sflag:s26] =	ssyncset.done $0x0  }
0x3d: {  	[sflag:s26] =	ssyncadd.s32 $0xFFFFE000  }
0x3e: {  	_ =	swait.ge [sflag:s26], $0x2000  }
0x3f: {  	[sflag:s26] =	ssyncset.done $0x0  }
0x40: {  	[sflag:s26] =	ssyncadd.s32 $0xFFFFE000  }
0x41: {  	_ =	swait.ge [sflag:s26], $0x2000  }
0x42: {  	[sflag:s26] =	ssyncset.done $0x0  }
0x43: {  	[sflag:s26] =	ssyncadd.s32 $0xFFFFE000  }
0x44: {  	_ =	swait.ge [sflag:s26], $0x2000  }
0x45: {  	[sflag:s26] =	ssyncset.done $0x0  }
0x46: {  	[sflag:s26] =	ssyncadd.s32 $0xFFFFE000  }
0x47: {  	[tilespmem:s28], [sflag:$0x2] =	stream.indirect.gather [hbm4b:s3+s19], $0x40, s19, s19, $0xb8;
	[tilespmem:$0x18C10] =	vst v63  }
0x48: {  	s18 =	simm.s32 $0x280  }
0x49: {  	[tilespmem:s30], [sflag:$0x2] =	stream.indirect.gather [hbm4b:s4+s19], $0x40, s18, s19, $0xb8;
	[tilespmem:$0x18C10] =	vst v63  }
0x4a: {  	s6 =	simm.s32 $0x480  }
0x4b: {  	[tilespmem:s0], [sflag:$0x2] =	stream.indirect.gather [hbm4b:s3+s19], $0x40, s6, s19, $0xb8;
	[tilespmem:$0x18C10] =	vst v63  }
0x4c: {  	s16 =	simm.s32 $0x680  }
0x4d: {  	[tilespmem:s29], [sflag:$0x2] =	stream.indirect.gather [hbm4b:s3+s19], $0x40, s16, s19, $0xb8;
	[tilespmem:$0x18C10] =	vst v63  }
0x4e: {  	s17 =	simm.s32 $0x880  }
0x4f: {  	[tilespmem:s1], [sflag:$0x2] =	stream.indirect.gather [hbm4b:s4+s19], $0x40, s17, s19, $0xb8;
	[tilespmem:$0x18C10] =	vst v63  }
0x50: {  	s18 =	simm.s32 $0xA80;
	s16 =	simm.s32 $0x0  }
0x51: {  	v3 =	vimm.f32 $0.0e+00;
	v2 =	vimm.f32 $0.0e+00;
	[tilespmem:s31], [sflag:$0x2] =	stream.indirect.gather [hbm4b:s3+s19], $0x40, s18, s19, $0xb8;
	[tilespmem:$0x18C10] =	vst v63  }
.LBB2_2:
0x52: {  	s17 =	sshll.u32 s16, $0x4  }
0x53: {  	s6 =	simm.s32 $0x0;
	v4 =	vmov s17  }
0x54: {  	v5 =	vadd.s32 s6, v0;
	v4 =	vshll.u32 v4, $0x6  }
0x55: {  	v5 =	vand.u32 $0x3F, v5;
	v4 =	vor.u32 v1, v4  }
0x56: {  	v5 =	vor.u32 v4, v5;
	_ =	sdelay $0x2  }
0x57: {  	s18 =	simm.s32 $0x3  }
0x58: {  	v6 =	vadd.s32 s18, v0  }
0x59: {  	v6 =	vand.u32 $0x3F, v6;
	v7 =	vld.idx.msk [tilespmem:v5+s20+$0x0], $0xffff  }
0x5a: {  	s5 =	simm.s32 $0x2;
	v6 =	vor.u32 v4, v6;
	v8 =	vld.idx.msk [tilespmem:v5+s21+$0x0], $0xffff  }
0x5b: {  	v10 =	vadd.s32 s5, v0;
	v9 =	vld.idx.msk [tilespmem:v5+s22+$0x0], $0xffff  }
0x5c: {  	v10 =	vand.u32 $0x3F, v10;
	v11 =	vld.idx.msk [tilespmem:v5+s25+$0x0], $0xffff  }
0x5d: {  	s6 =	simm.s32 $0x1;
	v10 =	vor.u32 v4, v10;
	v12 =	vld.idx.msk [tilespmem:v5+s23+$0x0], $0xffff  }
0x5e: {  	v13 =	vadd.s32 s6, v0;
	v5 =	vld.idx.msk [tilespmem:v5+s24+$0x0], $0xffff  }
0x5f: {  	v13 =	vand.u32 $0x3F, v13;
	v14 =	vld.idx.msk [tilespmem:v6+s25+$0x0], $0xffff  }
0x60: {  	v13 =	vor.u32 v4, v13;
	v15 =	vld.idx.msk [tilespmem:v6+s23+$0x0], $0xffff  }
0x61: {  	v16 =	vld.idx.msk [tilespmem:v6+s24+$0x0], $0xffff  }
0x62: {  	v17 =	vld.idx.msk [tilespmem:v10+s25+$0x0], $0xffff  }
0x63: {  	v18 =	vld.idx.msk [tilespmem:v10+s23+$0x0], $0xffff  }
0x64: {  	v19 =	vld.idx.msk [tilespmem:v10+s24+$0x0], $0xffff  }
0x65: {  	v20 =	vld.idx.msk [tilespmem:v13+s23+$0x0], $0xffff  }
0x66: {  	v21 =	vld.idx.msk [tilespmem:v13+s20+$0x0], $0xffff;
	v7 =	vadd.f32 v8, v7  }
0x67: {  	v22 =	vld.idx.msk [tilespmem:v13+s21+$0x0], $0xffff  }
0x68: {  	v8 =	vld.idx.msk [tilespmem:v13+s24+$0x0], $0xffff;
	v7 =	vsub.f32 v7, v9  }
0x69: {  	s18 =	simm.s32 $0x4;
	v24 =	vld.idx.msk [tilespmem:v6+s20+$0x0], $0xffff  }
0x6a: {  	v23 =	vadd.s32 s18, v0;
	v12 =	vadd.f32 v5, v12;
	v9 =	vld.idx.msk [tilespmem:v13+s25+$0x0], $0xffff;
	v7 =	vand.u32 $0x7FFFFFFF, v7  }
0x6b: {  	v18 =	vadd.f32 v19, v18;
	v13 =	vld.idx.msk [tilespmem:v13+s22+$0x0], $0xffff;
	v5 =	vadd.f32 v7, v3;
	v7 =	vand.u32 $0x3F, v23  }
0x6c: {  	v11 =	vsub.f32 v12, v11;
	v12 =	vadd.f32 v16, v15;
	v15 =	vld.idx.msk [tilespmem:v10+s21+$0x0], $0xffff;
	v25 =	vor.u32 v4, v7  }
0x6d: {  	s5 =	simm.s32 $0x7;
	v23 =	vld.idx.msk [tilespmem:v10+s20+$0x0], $0xffff;
	v7 =	vadd.f32 v8, v20;
	v8 =	vsub.f32 v18, v17  }
0x6e: {  	v20 =	vld.idx.msk [tilespmem:v10+s22+$0x0], $0xffff;
	v10 =	vand.u32 $0x7FFFFFFF, v11;
	v11 =	vsub.f32 v12, v14;
	v12 =	vadd.s32 s5, v0  }
0x6f: {  	v16 =	vld.idx.msk [tilespmem:v6+s22+$0x0], $0xffff;
	v14 =	vadd.f32 v22, v21;
	v7 =	vsub.f32 v7, v9;
	v8 =	vand.u32 $0x7FFFFFFF, v8  }
0x70: {  	v21 =	vld.idx.msk [tilespmem:v6+s21+$0x0], $0xffff;
	v9 =	vadd.f32 v10, v3;
	v10 =	vand.u32 $0x7FFFFFFF, v11;
	v11 =	vand.u32 $0x3F, v12  }
0x71: {  	s6 =	simm.s32 $0x6;
	v6 =	vadd.f32 v10, v3;
	v10 =	vsub.f32 v14, v13;
	v11 =	vor.u32 v4, v11;
	v17 =	vld.idx.msk [tilespmem:v25+s20+$0x0], $0xffff  }
0x72: {  	v13 =	vadd.s32 s6, v0;
	v7 =	vand.u32 $0x7FFFFFFF, v7;
	v12 =	vadd.f32 v15, v23;
	v19 =	vld.idx.msk [tilespmem:v25+s21+$0x0], $0xffff  }
0x73: {  	v8 =	vadd.f32 v8, v3;
	v13 =	vand.u32 $0x3F, v13;
	v7 =	vadd.f32 v7, v3;
	v18 =	vld.idx.msk [tilespmem:v25+s22+$0x0], $0xffff  }
0x74: {  	s18 =	simm.s32 $0x5;
	v10 =	vand.u32 $0x7FFFFFFF, v10;
	v15 =	vld.idx.msk [tilespmem:v25+s25+$0x0], $0xffff;
	v14 =	vor.u32 v4, v13;
	v12 =	vsub.f32 v12, v20  }
0x75: {  	v22 =	vadd.f32 v21, v24;
	v24 =	vadd.s32 s18, v0;
	v21 =	vld.idx.msk [tilespmem:v25+s24+$0x0], $0xffff;
	v13 =	vimm.f32 $0.0e+00  }
0x76: {  	s17 =	simm.s32 $0x8;
	v10 =	vadd.f32 v10, v3;
	v20 =	vld.idx.msk [tilespmem:v25+s23+$0x0], $0xffff;
	v23 =	vand.u32 $0x7FFFFFFF, v12;
	v12 =	vimm.f32 $0.0e+00  }
.LBB2_3:
0x77: {  	p0 =	sne.s32 s17, $0x3C;
	v24 =	vand.u32 $0x3F, v24;
	v25 =	vld.idx.msk [tilespmem:v11+s25+$0x0], $0xffff;
	v13 =	vadd.f32 v23, v13;
	v16 =	vsub.f32 v22, v16  }
0x78: {  	v17 =	vadd.f32 v19, v17;
	v19 =	vor.u32 v4, v24;
	v22 =	vld.idx.msk [tilespmem:v11+s23+$0x0], $0xffff  }
0x79: {  	v23 =	vld.idx.msk [tilespmem:v11+s24+$0x0], $0xffff;
	v16 =	vand.u32 $0x7FFFFFFF, v16  }
0x7a: {  	v17 =	vsub.f32 v17, v18;
	v18 =	vld.idx.msk [tilespmem:v14+s25+$0x0], $0xffff;
	v12 =	vadd.f32 v16, v12  }
0x7b: {  	v16 =	vld.idx.msk [tilespmem:v14+s23+$0x0], $0xffff  }
0x7c: {  	v17 =	vand.u32 $0x7FFFFFFF, v17;
	v24 =	vld.idx.msk [tilespmem:v14+s24+$0x0], $0xffff  }
0x7d: {  	v5 =	vadd.f32 v17, v5;
	v17 =	vld.idx.msk [tilespmem:v19+s23+$0x0], $0xffff  }
0x7e: {  	v26 =	vld.idx.msk [tilespmem:v19+s24+$0x0], $0xffff  }
0x7f: {  	v27 =	vld.idx.msk [tilespmem:v19+s20+$0x0], $0xffff  }
0x80: {  	v20 =	vadd.f32 v21, v20;
	v21 =	vld.idx.msk [tilespmem:v19+s25+$0x0], $0xffff  }
0x81: {  	v28 =	vld.idx.msk [tilespmem:v19+s21+$0x0], $0xffff  }
0x82: {  	v29 =	vadd.s32 s17, v0;
	v15 =	vsub.f32 v20, v15;
	v19 =	vld.idx.msk [tilespmem:v19+s22+$0x0], $0xffff  }
0x83: {  	v20 =	vand.u32 $0x3F, v29;
	v22 =	vadd.f32 v23, v22;
	v16 =	vadd.f32 v24, v16;
	v29 =	vld.idx.msk [tilespmem:v14+s20+$0x0], $0xffff  }
0x84: {  	v23 =	vor.u32 v4, v20;
	v17 =	vadd.f32 v26, v17;
	v20 =	vld.idx.msk [tilespmem:v14+s21+$0x0], $0xffff  }
0x85: {  	s18 =	sadd.s32 $0x3, s17;
	v15 =	vand.u32 $0x7FFFFFFF, v15;
	v16 =	vsub.f32 v16, v18;
	v18 =	vsub.f32 v22, v25;
	v14 =	vld.idx.msk [tilespmem:v14+s22+$0x0], $0xffff  }
0x86: {  	v9 =	vadd.f32 v15, v9;
	v22 =	vadd.s32 s18, v0;
	v15 =	vsub.f32 v17, v21;
	v21 =	vld.idx.msk [tilespmem:v11+s20+$0x0], $0xffff  }
0x87: {  	v16 =	vand.u32 $0x7FFFFFFF, v16;
	v17 =	vand.u32 $0x7FFFFFFF, v18;
	v24 =	vadd.f32 v28, v27;
	v25 =	vld.idx.msk [tilespmem:v11+s21+$0x0], $0xffff  }
0x88: {  	v8 =	vadd.f32 v16, v8;
	v6 =	vadd.f32 v17, v6;
	v15 =	vand.u32 $0x7FFFFFFF, v15;
	v16 =	vld.idx.msk [tilespmem:v11+s22+$0x0], $0xffff  }
0x89: {  	v11 =	vand.u32 $0x3F, v22;
	v22 =	vsub.f32 v24, v19;
	v7 =	vadd.f32 v15, v7;
	v17 =	vld.idx.msk [tilespmem:v23+s20+$0x0], $0xffff  }
.Ltmp0:
0x8a: {  	s18 =	sadd.s32 $0x2, s17;
	v11 =	vor.u32 v4, v11;
	v20 =	vadd.f32 v20, v29;
	v19 =	vld.idx.msk [tilespmem:v23+s21+$0x0], $0xffff;
	(pc) =	sbr.rel @p0 .LBB2_3-.Ltmp0, $4  }
0x8b: {  	v24 =	vadd.s32 s18, v0;
	v22 =	vand.u32 $0x7FFFFFFF, v22;
	v18 =	vld.idx.msk [tilespmem:v23+s22+$0x0], $0xffff  }
0x8c: {  	v24 =	vand.u32 $0x3F, v24;
	v10 =	vadd.f32 v22, v10;
	v26 =	vsub.f32 v20, v14;
	v15 =	vld.idx.msk [tilespmem:v23+s25+$0x0], $0xffff  }
0x8d: {  	s18 =	sadd.s32 $0x1, s17;
	v14 =	vor.u32 v4, v24;
	v22 =	vadd.f32 v25, v21;
	v20 =	vld.idx.msk [tilespmem:v23+s23+$0x0], $0xffff  }
0x8e: {  	s17 =	sadd.s32 $0x4, s17;
	v24 =	vadd.s32 s18, v0;
	v21 =	vld.idx.msk [tilespmem:v23+s24+$0x0], $0xffff;
	v23 =	vand.u32 $0x7FFFFFFF, v26  }
0x8f: {  	_ =	sdelay $0x3  }
0x90: {  	v25 =	vld.idx.msk [tilespmem:v11+s25+$0x0], $0xffff  }
0x91: {  	v49 =	vld.idx.msk [tilespmem:v11+s23+$0x0], $0xffff  }
0x92: {  	v26 =	vld.idx.msk [tilespmem:v11+s24+$0x0], $0xffff  }
0x93: {  	v27 =	vld.idx.msk [tilespmem:v14+s25+$0x0], $0xffff  }
0x94: {  	v28 =	vld.idx.msk [tilespmem:v14+s23+$0x0], $0xffff  }
0x95: {  	v29 =	vld.idx.msk [tilespmem:v14+s24+$0x0], $0xffff  }
0x96: {  	v24 =	vand.u32 $0x3F, v24;
	v50 =	vld.idx.msk [tilespmem:v14+s20+$0x0], $0xffff  }
0x97: {  	v51 =	vld.idx.msk [tilespmem:v14+s21+$0x0], $0xffff;
	v4 =	vor.u32 v4, v24  }
0x98: {  	v52 =	vld.idx.msk [tilespmem:v11+s20+$0x0], $0xffff  }
0x99: {  	v53 =	vld.idx.msk [tilespmem:v11+s21+$0x0], $0xffff  }
0x9a: {  	v56 =	vld.idx.msk [tilespmem:v14+s22+$0x0], $0xffff  }
0x9b: {  	v16 =	vsub.f32 v22, v16;
	v17 =	vadd.f32 v19, v17;
	v58 =	vld.idx.msk [tilespmem:v11+s22+$0x0], $0xffff  }
0x9c: {  	v30 =	vld.idx.msk [tilespmem:v4+s23+$0x0], $0xffff  }
0x9d: {  	v16 =	vand.u32 $0x7FFFFFFF, v16;
	v17 =	vsub.f32 v17, v18;
	v31 =	vld.idx.msk [tilespmem:v4+s24+$0x0], $0xffff  }
0x9e: {  	v13 =	vadd.f32 v23, v13;
	v12 =	vadd.f32 v16, v12;
	v32 =	vld.idx.msk [tilespmem:v4+s20+$0x0], $0xffff  }
0x9f: {  	v20 =	vadd.f32 v21, v20;
	v17 =	vand.u32 $0x7FFFFFFF, v17;
	v54 =	vadd.f32 v29, v28;
	v34 =	vld.idx.msk [tilespmem:v4+s21+$0x0], $0xffff  }
0xa0: {  	v55 =	vadd.f32 v26, v49;
	v5 =	vadd.f32 v17, v5;
	v33 =	vld.idx.msk [tilespmem:v4+s25+$0x0], $0xffff  }
0xa1: {  	v19 =	vadd.f32 v51, v50;
	v16 =	vadd.f32 v53, v52;
	v4 =	vld.idx.msk [tilespmem:v4+s22+$0x0], $0xffff  }
0xa2: {  	v15 =	vsub.f32 v20, v15;
	v20 =	vsub.f32 v54, v27  }
0xa3: {  	v22 =	vsub.f32 v55, v25;
	v14 =	vsub.f32 v19, v56  }
0xa4: {  	v11 =	vsub.f32 v16, v58;
	v15 =	vand.u32 $0x7FFFFFFF, v15;
	v59 =	vadd.f32 v34, v32  }
0xa5: {  	v9 =	vadd.f32 v15, v9;
	v57 =	vadd.f32 v31, v30  }
0xa6: {  	v60 =	vand.u32 $0x7FFFFFFF, v20;
	v61 =	vand.u32 $0x7FFFFFFF, v22;
	v4 =	vsub.f32 v59, v4  }
0xa7: {  	v62 =	vand.u32 $0x7FFFFFFF, v14;
	v11 =	vand.u32 $0x7FFFFFFF, v11;
	v17 =	vsub.f32 v57, v33  }
0xa8: {  	v8 =	vadd.f32 v60, v8;
	v11 =	vadd.f32 v11, v12;
	v4 =	vand.u32 $0x7FFFFFFF, v4  }
0xa9: {  	v6 =	vadd.f32 v61, v6;
	v63 =	vand.u32 $0x7FFFFFFF, v17;
	v4 =	vadd.f32 v4, v10  }
0xaa: {  	v10 =	vadd.f32 v62, v13;
	v7 =	vadd.f32 v63, v7  }
0xab: {  	v6 =	vadd.f32 v6, v8;
	v4 =	vadd.f32 v4, v5  }
0xac: {  	v5 =	vadd.f32 v11, v10;
	v7 =	vadd.f32 v7, v9;
	_ =	sdelay $0x1  }
0xad: {  	v4 =	vadd.f32 v5, v4;
	v5 =	vadd.f32 v6, v7  }
0xae: {  	s16 =	sadd.s32 $0x1, s16  }
0xaf: {  	p0 =	sne.s32 s16, $0x8;
	v4 =	vsub.f32 v4, v5  }
.Ltmp1:
0xb0: {  	_ = 	snop;
	(pc) =	sbr.rel @p0 .LBB2_2-.Ltmp1, $3  }
0xb1: {  	v4 =	vadd.f32 $1.000000000e+00, v4;
	_ =	sdelay $0x1  }
0xb2: {  	v4 =	vmax.f32 v4, $0.0e+00  }
0xb3: {  	v2 =	vadd.f32 v4, v2  }
0xb4: {  	_ =	swait.ge [sflag:s14], $0x2000  }
0xb5: {  	[sflag:s14] =	ssyncset.done $0x0  }
0xb6: {  	[sflag:s14] =	ssyncadd.s32 $0xFFFFE000  }
0xb7: {  	_ =	swait.ge [sflag:s14], $0x2000  }
0xb8: {  	[sflag:s14] =	ssyncset.done $0x0  }
0xb9: {  	[sflag:s14] =	ssyncadd.s32 $0xFFFFE000  }
0xba: {  	_ =	swait.ge [sflag:s14], $0x2000  }
0xbb: {  	[sflag:s14] =	ssyncset.done $0x0  }
0xbc: {  	[sflag:s14] =	ssyncadd.s32 $0xFFFFE000  }
0xbd: {  	_ =	swait.ge [sflag:s14], $0x2000  }
0xbe: {  	[sflag:s14] =	ssyncset.done $0x0  }
0xbf: {  	[sflag:s14] =	ssyncadd.s32 $0xFFFFE000  }
0xc0: {  	_ =	swait.ge [sflag:s14], $0x2000  }
0xc1: {  	[sflag:s14] =	ssyncset.done $0x0  }
0xc2: {  	[sflag:s14] =	ssyncadd.s32 $0xFFFFE000  }
0xc3: {  	_ =	swait.ge [sflag:s14], $0x2000  }
0xc4: {  	[sflag:s14] =	ssyncset.done $0x0  }
0xc5: {  	s5 =	simm.s32 $0x100;
	[sflag:s14] =	ssyncadd.s32 $0xFFFFE000  }
0xc6: {  	[tilespmem:s20], [sflag:$0x1] =	stream.indirect.gather [hbm4b:s3+s19], $0x40, s5, s19, $0xb8;
	[tilespmem:$0x18C10] =	vst v63  }
0xc7: {  	s18 =	simm.s32 $0x300  }
0xc8: {  	[tilespmem:s21], [sflag:$0x1] =	stream.indirect.gather [hbm4b:s4+s19], $0x40, s18, s19, $0xb8;
	[tilespmem:$0x18C10] =	vst v63  }
0xc9: {  	s6 =	simm.s32 $0x500  }
0xca: {  	[tilespmem:s22], [sflag:$0x1] =	stream.indirect.gather [hbm4b:s3+s19], $0x40, s6, s19, $0xb8;
	[tilespmem:$0x18C10] =	vst v63  }
0xcb: {  	s16 =	simm.s32 $0x700  }
0xcc: {  	[tilespmem:s23], [sflag:$0x1] =	stream.indirect.gather [hbm4b:s3+s19], $0x40, s16, s19, $0xb8;
	[tilespmem:$0x18C10] =	vst v63  }
0xcd: {  	s17 =	simm.s32 $0x900  }
0xce: {  	[tilespmem:s24], [sflag:$0x1] =	stream.indirect.gather [hbm4b:s4+s19], $0x40, s17, s19, $0xb8;
	[tilespmem:$0x18C10] =	vst v63  }
0xcf: {  	s18 =	simm.s32 $0xB00;
	s16 =	simm.s32 $0x0;
	s17 =	simm.s32 $0x0  }
0xd0: {  	[tilespmem:s25], [sflag:$0x1] =	stream.indirect.gather [hbm4b:s3+s19], $0x40, s18, s19, $0xb8;
	[tilespmem:$0x18C10] =	vst v63  }
.LBB2_6:
0xd1: {  	s18 =	sshll.u32 s17, $0x4  }
0xd2: {  	v3 =	vmov s18  }
0xd3: {  	v4 =	vadd.s32 s16, v0;
	v3 =	vshll.u32 v3, $0x6  }
0xd4: {  	v4 =	vand.u32 $0x3F, v4;
	v3 =	vor.u32 v1, v3  }
0xd5: {  	v4 =	vor.u32 v3, v4;
	_ =	sdelay $0x2  }
0xd6: {  	s6 =	simm.s32 $0x3  }
0xd7: {  	v5 =	vadd.s32 s6, v0  }
0xd8: {  	v5 =	vand.u32 $0x3F, v5;
	v6 =	vld.idx.msk [tilespmem:v4+s28+$0x0], $0xffff  }
0xd9: {  	s5 =	simm.s32 $0x2;
	v8 =	vor.u32 v3, v5;
	v7 =	vld.idx.msk [tilespmem:v4+s30+$0x0], $0xffff  }
0xda: {  	v9 =	vadd.s32 s5, v0;
	v5 =	vld.idx.msk [tilespmem:v4+s0+$0x0], $0xffff  }
0xdb: {  	v9 =	vand.u32 $0x3F, v9;
	v10 =	vld.idx.msk [tilespmem:v4+s31+$0x0], $0xffff  }
0xdc: {  	s6 =	simm.s32 $0x1;
	v9 =	vor.u32 v3, v9;
	v11 =	vld.idx.msk [tilespmem:v4+s29+$0x0], $0xffff  }
0xdd: {  	v12 =	vadd.s32 s6, v0;
	v4 =	vld.idx.msk [tilespmem:v4+s1+$0x0], $0xffff  }
0xde: {  	v12 =	vand.u32 $0x3F, v12;
	v13 =	vld.idx.msk [tilespmem:v8+s31+$0x0], $0xffff  }
0xdf: {  	v12 =	vor.u32 v3, v12;
	v14 =	vld.idx.msk [tilespmem:v8+s29+$0x0], $0xffff  }
0xe0: {  	v15 =	vld.idx.msk [tilespmem:v8+s1+$0x0], $0xffff  }
0xe1: {  	v16 =	vld.idx.msk [tilespmem:v9+s31+$0x0], $0xffff  }
0xe2: {  	v17 =	vld.idx.msk [tilespmem:v9+s29+$0x0], $0xffff  }
0xe3: {  	v18 =	vld.idx.msk [tilespmem:v9+s1+$0x0], $0xffff  }
0xe4: {  	v19 =	vld.idx.msk [tilespmem:v12+s29+$0x0], $0xffff  }
0xe5: {  	v20 =	vld.idx.msk [tilespmem:v12+s1+$0x0], $0xffff  }
0xe6: {  	v21 =	vld.idx.msk [tilespmem:v12+s31+$0x0], $0xffff  }
0xe7: {  	v6 =	vadd.f32 v7, v6;
	v7 =	vld.idx.msk [tilespmem:v12+s28+$0x0], $0xffff  }
0xe8: {  	s5 =	simm.s32 $0x4;
	v4 =	vadd.f32 v4, v11;
	v11 =	vld.idx.msk [tilespmem:v12+s30+$0x0], $0xffff  }
0xe9: {  	v22 =	vadd.s32 s5, v0;
	v12 =	vld.idx.msk [tilespmem:v12+s0+$0x0], $0xffff;
	v17 =	vadd.f32 v18, v17;
	v14 =	vadd.f32 v15, v14  }
0xea: {  	v15 =	vadd.f32 v20, v19;
	v19 =	vld.idx.msk [tilespmem:v9+s0+$0x0], $0xffff;
	v4 =	vsub.f32 v4, v10;
	v10 =	vand.u32 $0x3F, v22  }
0xeb: {  	v6 =	vsub.f32 v6, v5;
	v22 =	vld.idx.msk [tilespmem:v9+s28+$0x0], $0xffff;
	v23 =	vor.u32 v3, v10  }
0xec: {  	s6 =	simm.s32 $0x7;
	v5 =	vimm.f32 $0.0e+00;
	v16 =	vsub.f32 v17, v16;
	v13 =	vsub.f32 v14, v13;
	v10 =	vld.idx.msk [tilespmem:v9+s30+$0x0], $0xffff  }
0xed: {  	v20 =	vld.idx.msk [tilespmem:v8+s28+$0x0], $0xffff;
	v14 =	vadd.s32 s6, v0;
	v6 =	vand.u32 $0x7FFFFFFF, v6;
	v4 =	vand.u32 $0x7FFFFFFF, v4  }
0xee: {  	v13 =	vand.u32 $0x7FFFFFFF, v13;
	v9 =	vadd.f32 v4, v5;
	v4 =	vsub.f32 v15, v21;
	v21 =	vld.idx.msk [tilespmem:v8+s30+$0x0], $0xffff  }
0xef: {  	v6 =	vadd.f32 v6, v5;
	v7 =	vadd.f32 v11, v7;
	v11 =	vand.u32 $0x7FFFFFFF, v16;
	v15 =	vld.idx.msk [tilespmem:v8+s0+$0x0], $0xffff  }
0xf0: {  	v8 =	vadd.f32 v11, v5;
	v11 =	vand.u32 $0x3F, v14;
	v17 =	vand.u32 $0x7FFFFFFF, v4;
	v16 =	vld.idx.msk [tilespmem:v23+s28+$0x0], $0xffff  }
0xf1: {  	s5 =	simm.s32 $0x6;
	v12 =	vsub.f32 v7, v12;
	v11 =	vor.u32 v3, v11;
	v18 =	vld.idx.msk [tilespmem:v23+s30+$0x0], $0xffff;
	v10 =	vadd.f32 v10, v22  }
0xf2: {  	v4 =	vadd.f32 v13, v5;
	v13 =	vadd.s32 s5, v0;
	v7 =	vadd.f32 v17, v5;
	v17 =	vld.idx.msk [tilespmem:v23+s0+$0x0], $0xffff  }
0xf3: {  	v14 =	vld.idx.msk [tilespmem:v23+s31+$0x0], $0xffff;
	v13 =	vand.u32 $0x3F, v13;
	v12 =	vand.u32 $0x7FFFFFFF, v12;
	v22 =	vsub.f32 v10, v19  }
0xf4: {  	s6 =	simm.s32 $0x5;
	v13 =	vor.u32 v3, v13;
	v10 =	vadd.f32 v12, v5;
	v19 =	vld.idx.msk [tilespmem:v23+s29+$0x0], $0xffff;
	v21 =	vadd.f32 v21, v20  }
0xf5: {  	s18 =	simm.s32 $0x8;
	v20 =	vld.idx.msk [tilespmem:v23+s1+$0x0], $0xffff;
	v23 =	vadd.s32 s6, v0;
	v12 =	vimm.f32 $0.0e+00;
	v22 =	vand.u32 $0x7FFFFFFF, v22  }
.LBB2_7:
0xf6: {  	p0 =	sne.s32 s18, $0x3C;
	v23 =	vand.u32 $0x3F, v23;
	v24 =	vld.idx.msk [tilespmem:v11+s31+$0x0], $0xffff;
	v5 =	vadd.f32 v22, v5;
	v15 =	vsub.f32 v21, v15  }
0xf7: {  	v16 =	vadd.f32 v18, v16;
	v18 =	vor.u32 v3, v23;
	v21 =	vld.idx.msk [tilespmem:v11+s29+$0x0], $0xffff  }
0xf8: {  	v22 =	vld.idx.msk [tilespmem:v11+s1+$0x0], $0xffff;
	v15 =	vand.u32 $0x7FFFFFFF, v15  }
0xf9: {  	v16 =	vsub.f32 v16, v17;
	v17 =	vld.idx.msk [tilespmem:v13+s31+$0x0], $0xffff;
	v12 =	vadd.f32 v15, v12  }
0xfa: {  	v15 =	vld.idx.msk [tilespmem:v13+s29+$0x0], $0xffff  }
0xfb: {  	v16 =	vand.u32 $0x7FFFFFFF, v16;
	v23 =	vld.idx.msk [tilespmem:v13+s1+$0x0], $0xffff  }
0xfc: {  	v6 =	vadd.f32 v16, v6;
	v16 =	vld.idx.msk [tilespmem:v18+s29+$0x0], $0xffff  }
0xfd: {  	v25 =	vld.idx.msk [tilespmem:v18+s1+$0x0], $0xffff  }
0xfe: {  	v26 =	vld.idx.msk [tilespmem:v18+s28+$0x0], $0xffff  }
0xff: {  	v19 =	vadd.f32 v20, v19;
	v20 =	vld.idx.msk [tilespmem:v18+s31+$0x0], $0xffff  }
0x100: {  	v27 =	vld.idx.msk [tilespmem:v18+s30+$0x0], $0xffff  }
0x101: {  	v28 =	vadd.s32 s18, v0;
	v14 =	vsub.f32 v19, v14;
	v18 =	vld.idx.msk [tilespmem:v18+s0+$0x0], $0xffff  }
0x102: {  	v19 =	vand.u32 $0x3F, v28;
	v21 =	vadd.f32 v22, v21;
	v15 =	vadd.f32 v23, v15;
	v28 =	vld.idx.msk [tilespmem:v13+s28+$0x0], $0xffff  }
0x103: {  	v22 =	vor.u32 v3, v19;
	v16 =	vadd.f32 v25, v16;
	v19 =	vld.idx.msk [tilespmem:v13+s30+$0x0], $0xffff  }
0x104: {  	s5 =	sadd.s32 $0x3, s18;
	v14 =	vand.u32 $0x7FFFFFFF, v14;
	v15 =	vsub.f32 v15, v17;
	v17 =	vsub.f32 v21, v24;
	v13 =	vld.idx.msk [tilespmem:v13+s0+$0x0], $0xffff  }
0x105: {  	v9 =	vadd.f32 v14, v9;
	v21 =	vadd.s32 s5, v0;
	v14 =	vsub.f32 v16, v20;
	v20 =	vld.idx.msk [tilespmem:v11+s28+$0x0], $0xffff  }
0x106: {  	v15 =	vand.u32 $0x7FFFFFFF, v15;
	v16 =	vand.u32 $0x7FFFFFFF, v17;
	v23 =	vadd.f32 v27, v26;
	v24 =	vld.idx.msk [tilespmem:v11+s30+$0x0], $0xffff  }
0x107: {  	v8 =	vadd.f32 v15, v8;
	v4 =	vadd.f32 v16, v4;
	v14 =	vand.u32 $0x7FFFFFFF, v14;
	v15 =	vld.idx.msk [tilespmem:v11+s0+$0x0], $0xffff  }
0x108: {  	v11 =	vand.u32 $0x3F, v21;
	v21 =	vsub.f32 v23, v18;
	v7 =	vadd.f32 v14, v7;
	v16 =	vld.idx.msk [tilespmem:v22+s28+$0x0], $0xffff  }
.Ltmp2:
0x109: {  	s5 =	sadd.s32 $0x2, s18;
	v11 =	vor.u32 v3, v11;
	v19 =	vadd.f32 v19, v28;
	v18 =	vld.idx.msk [tilespmem:v22+s30+$0x0], $0xffff;
	(pc) =	sbr.rel @p0 .LBB2_7-.Ltmp2, $4  }
0x10a: {  	v23 =	vadd.s32 s5, v0;
	v21 =	vand.u32 $0x7FFFFFFF, v21;
	v17 =	vld.idx.msk [tilespmem:v22+s0+$0x0], $0xffff  }
0x10b: {  	v23 =	vand.u32 $0x3F, v23;
	v10 =	vadd.f32 v21, v10;
	v25 =	vsub.f32 v19, v13;
	v14 =	vld.idx.msk [tilespmem:v22+s31+$0x0], $0xffff  }
0x10c: {  	s5 =	sadd.s32 $0x1, s18;
	v13 =	vor.u32 v3, v23;
	v21 =	vadd.f32 v24, v20;
	v19 =	vld.idx.msk [tilespmem:v22+s29+$0x0], $0xffff  }
0x10d: {  	s18 =	sadd.s32 $0x4, s18;
	v23 =	vadd.s32 s5, v0;
	v20 =	vld.idx.msk [tilespmem:v22+s1+$0x0], $0xffff;
	v22 =	vand.u32 $0x7FFFFFFF, v25  }
0x10e: {  	_ =	sdelay $0x3  }
0x10f: {  	v24 =	vld.idx.msk [tilespmem:v11+s31+$0x0], $0xffff  }
0x110: {  	v47 =	vld.idx.msk [tilespmem:v11+s29+$0x0], $0xffff  }
0x111: {  	v25 =	vld.idx.msk [tilespmem:v11+s1+$0x0], $0xffff  }
0x112: {  	v26 =	vld.idx.msk [tilespmem:v13+s31+$0x0], $0xffff  }
0x113: {  	v27 =	vld.idx.msk [tilespmem:v13+s29+$0x0], $0xffff  }
0x114: {  	v28 =	vld.idx.msk [tilespmem:v13+s1+$0x0], $0xffff  }
0x115: {  	v23 =	vand.u32 $0x3F, v23;
	v48 =	vld.idx.msk [tilespmem:v13+s28+$0x0], $0xffff  }
0x116: {  	v49 =	vld.idx.msk [tilespmem:v13+s30+$0x0], $0xffff;
	v3 =	vor.u32 v3, v23  }
0x117: {  	v50 =	vld.idx.msk [tilespmem:v11+s28+$0x0], $0xffff  }
0x118: {  	v51 =	vld.idx.msk [tilespmem:v11+s30+$0x0], $0xffff  }
0x119: {  	v54 =	vld.idx.msk [tilespmem:v13+s0+$0x0], $0xffff  }
0x11a: {  	v15 =	vsub.f32 v21, v15;
	v16 =	vadd.f32 v18, v16;
	v56 =	vld.idx.msk [tilespmem:v11+s0+$0x0], $0xffff  }
0x11b: {  	v29 =	vld.idx.msk [tilespmem:v3+s29+$0x0], $0xffff  }
0x11c: {  	v5 =	vadd.f32 v22, v5;
	v15 =	vand.u32 $0x7FFFFFFF, v15;
	v16 =	vsub.f32 v16, v17;
	v30 =	vld.idx.msk [tilespmem:v3+s1+$0x0], $0xffff  }
0x11d: {  	v12 =	vadd.f32 v15, v12;
	v19 =	vadd.f32 v20, v19;
	v31 =	vld.idx.msk [tilespmem:v3+s28+$0x0], $0xffff  }
0x11e: {  	v16 =	vand.u32 $0x7FFFFFFF, v16;
	v52 =	vadd.f32 v28, v27;
	v53 =	vadd.f32 v25, v47;
	v33 =	vld.idx.msk [tilespmem:v3+s30+$0x0], $0xffff  }
0x11f: {  	v6 =	vadd.f32 v16, v6;
	v18 =	vadd.f32 v49, v48;
	v32 =	vld.idx.msk [tilespmem:v3+s31+$0x0], $0xffff  }
0x120: {  	v15 =	vadd.f32 v51, v50;
	v3 =	vld.idx.msk [tilespmem:v3+s0+$0x0], $0xffff;
	v14 =	vsub.f32 v19, v14  }
0x121: {  	v19 =	vsub.f32 v52, v26;
	v21 =	vsub.f32 v53, v24  }
0x122: {  	v13 =	vsub.f32 v18, v54;
	v11 =	vsub.f32 v15, v56;
	v14 =	vand.u32 $0x7FFFFFFF, v14  }
0x123: {  	v58 =	vand.u32 $0x7FFFFFFF, v19;
	v55 =	vadd.f32 v30, v29;
	v57 =	vadd.f32 v33, v31  }
0x124: {  	v9 =	vadd.f32 v14, v9;
	v60 =	vand.u32 $0x7FFFFFFF, v13;
	v8 =	vadd.f32 v58, v8  }
0x125: {  	v11 =	vand.u32 $0x7FFFFFFF, v11;
	v16 =	vsub.f32 v55, v32;
	v3 =	vsub.f32 v57, v3  }
0x126: {  	v59 =	vand.u32 $0x7FFFFFFF, v21;
	v5 =	vadd.f32 v60, v5;
	v62 =	vadd.f32 v11, v12  }
0x127: {  	v4 =	vadd.f32 v59, v4;
	v3 =	vand.u32 $0x7FFFFFFF, v3;
	v61 =	vand.u32 $0x7FFFFFFF, v16  }
0x128: {  	v3 =	vadd.f32 v3, v10;
	v7 =	vadd.f32 v61, v7  }
0x129: {  	v5 =	vadd.f32 v62, v5;
	v4 =	vadd.f32 v4, v8  }
0x12a: {  	v3 =	vadd.f32 v3, v6;
	v63 =	vadd.f32 v7, v9;
	_ =	sdelay $0x1  }
0x12b: {  	v3 =	vadd.f32 v5, v3;
	v4 =	vadd.f32 v4, v63  }
0x12c: {  	s17 =	sadd.s32 $0x1, s17  }
0x12d: {  	p0 =	sne.s32 s17, $0x8;
	v3 =	vsub.f32 v3, v4  }
.Ltmp3:
0x12e: {  	_ = 	snop;
	(pc) =	sbr.rel @p0 .LBB2_6-.Ltmp3, $3  }
0x12f: {  	v3 =	vadd.f32 $1.000000000e+00, v3;
	_ =	sdelay $0x1  }
0x130: {  	v3 =	vmax.f32 v3, $0.0e+00  }
0x131: {  	v2 =	vadd.f32 v3, v2  }
0x132: {  	_ =	swait.ge [sflag:s26], $0x2000  }
0x133: {  	[sflag:s26] =	ssyncset.done $0x0  }
0x134: {  	[sflag:s26] =	ssyncadd.s32 $0xFFFFE000  }
0x135: {  	_ =	swait.ge [sflag:s26], $0x2000  }
0x136: {  	[sflag:s26] =	ssyncset.done $0x0  }
0x137: {  	[sflag:s26] =	ssyncadd.s32 $0xFFFFE000  }
0x138: {  	_ =	swait.ge [sflag:s26], $0x2000  }
0x139: {  	[sflag:s26] =	ssyncset.done $0x0  }
0x13a: {  	[sflag:s26] =	ssyncadd.s32 $0xFFFFE000  }
0x13b: {  	_ =	swait.ge [sflag:s26], $0x2000  }
0x13c: {  	[sflag:s26] =	ssyncset.done $0x0  }
0x13d: {  	[sflag:s26] =	ssyncadd.s32 $0xFFFFE000  }
0x13e: {  	_ =	swait.ge [sflag:s26], $0x2000  }
0x13f: {  	[sflag:s26] =	ssyncset.done $0x0  }
0x140: {  	[sflag:s26] =	ssyncadd.s32 $0xFFFFE000  }
0x141: {  	_ =	swait.ge [sflag:s26], $0x2000  }
0x142: {  	[sflag:s26] =	ssyncset.done $0x0  }
0x143: {  	s5 =	simm.s32 $0x180;
	[sflag:s26] =	ssyncadd.s32 $0xFFFFE000  }
0x144: {  	[tilespmem:s28], [sflag:$0x2] =	stream.indirect.gather [hbm4b:s3+s19], $0x40, s5, s19, $0xb8;
	[tilespmem:$0x18C10] =	vst v63  }
0x145: {  	s18 =	simm.s32 $0x380  }
0x146: {  	[tilespmem:s30], [sflag:$0x2] =	stream.indirect.gather [hbm4b:s4+s19], $0x40, s18, s19, $0xb8;
	[tilespmem:$0x18C10] =	vst v63  }
0x147: {  	s6 =	simm.s32 $0x580  }
0x148: {  	[tilespmem:s0], [sflag:$0x2] =	stream.indirect.gather [hbm4b:s3+s19], $0x40, s6, s19, $0xb8;
	[tilespmem:$0x18C10] =	vst v63  }
0x149: {  	s16 =	simm.s32 $0x780  }
0x14a: {  	[tilespmem:s29], [sflag:$0x2] =	stream.indirect.gather [hbm4b:s3+s19], $0x40, s16, s19, $0xb8;
	[tilespmem:$0x18C10] =	vst v63  }
0x14b: {  	s17 =	simm.s32 $0x980  }
0x14c: {  	[tilespmem:s1], [sflag:$0x2] =	stream.indirect.gather [hbm4b:s4+s19], $0x40, s17, s19, $0xb8;
	[tilespmem:$0x18C10] =	vst v63  }
0x14d: {  	s18 =	simm.s32 $0xB80;
	s16 =	simm.s32 $0x0;
	s17 =	simm.s32 $0x0  }
0x14e: {  	[tilespmem:s31], [sflag:$0x2] =	stream.indirect.gather [hbm4b:s3+s19], $0x40, s18, s19, $0xb8;
	[tilespmem:$0x18C10] =	vst v63  }
.LBB2_10:
0x14f: {  	s5 =	sshll.u32 s17, $0x4  }
0x150: {  	v3 =	vmov s5  }
0x151: {  	v4 =	vadd.s32 s16, v0;
	v3 =	vshll.u32 v3, $0x6  }
0x152: {  	v4 =	vand.u32 $0x3F, v4;
	v3 =	vor.u32 v1, v3  }
0x153: {  	v4 =	vor.u32 v3, v4;
	_ =	sdelay $0x2  }
0x154: {  	s18 =	simm.s32 $0x3  }
0x155: {  	v5 =	vadd.s32 s18, v0  }
0x156: {  	v5 =	vand.u32 $0x3F, v5;
	v6 =	vld.idx.msk [tilespmem:v4+s20+$0x0], $0xffff  }
0x157: {  	s6 =	simm.s32 $0x2;
	v8 =	vor.u32 v3, v5;
	v7 =	vld.idx.msk [tilespmem:v4+s21+$0x0], $0xffff  }
0x158: {  	v9 =	vadd.s32 s6, v0;
	v5 =	vld.idx.msk [tilespmem:v4+s22+$0x0], $0xffff  }
0x159: {  	v9 =	vand.u32 $0x3F, v9;
	v10 =	vld.idx.msk [tilespmem:v4+s25+$0x0], $0xffff  }
0x15a: {  	s18 =	simm.s32 $0x1;
	v9 =	vor.u32 v3, v9;
	v11 =	vld.idx.msk [tilespmem:v4+s23+$0x0], $0xffff  }
0x15b: {  	v12 =	vadd.s32 s18, v0;
	v4 =	vld.idx.msk [tilespmem:v4+s24+$0x0], $0xffff  }
0x15c: {  	v12 =	vand.u32 $0x3F, v12;
	v13 =	vld.idx.msk [tilespmem:v8+s25+$0x0], $0xffff  }
0x15d: {  	v12 =	vor.u32 v3, v12;
	v14 =	vld.idx.msk [tilespmem:v8+s23+$0x0], $0xffff  }
0x15e: {  	v15 =	vld.idx.msk [tilespmem:v8+s24+$0x0], $0xffff  }
0x15f: {  	v16 =	vld.idx.msk [tilespmem:v9+s25+$0x0], $0xffff  }
0x160: {  	v17 =	vld.idx.msk [tilespmem:v9+s23+$0x0], $0xffff  }
0x161: {  	v18 =	vld.idx.msk [tilespmem:v9+s24+$0x0], $0xffff  }
0x162: {  	v19 =	vld.idx.msk [tilespmem:v12+s23+$0x0], $0xffff  }
0x163: {  	v20 =	vld.idx.msk [tilespmem:v12+s24+$0x0], $0xffff  }
0x164: {  	v21 =	vld.idx.msk [tilespmem:v12+s25+$0x0], $0xffff  }
0x165: {  	v6 =	vadd.f32 v7, v6;
	v7 =	vld.idx.msk [tilespmem:v12+s20+$0x0], $0xffff  }
0x166: {  	s6 =	simm.s32 $0x4;
	v4 =	vadd.f32 v4, v11;
	v11 =	vld.idx.msk [tilespmem:v12+s21+$0x0], $0xffff  }
0x167: {  	v22 =	vadd.s32 s6, v0;
	v12 =	vld.idx.msk [tilespmem:v12+s22+$0x0], $0xffff;
	v17 =	vadd.f32 v18, v17;
	v14 =	vadd.f32 v15, v14  }
0x168: {  	v15 =	vadd.f32 v20, v19;
	v19 =	vld.idx.msk [tilespmem:v9+s22+$0x0], $0xffff;
	v4 =	vsub.f32 v4, v10;
	v10 =	vand.u32 $0x3F, v22  }
0x169: {  	v6 =	vsub.f32 v6, v5;
	v22 =	vld.idx.msk [tilespmem:v9+s20+$0x0], $0xffff;
	v23 =	vor.u32 v3, v10  }
0x16a: {  	s18 =	simm.s32 $0x7;
	v5 =	vimm.f32 $0.0e+00;
	v16 =	vsub.f32 v17, v16;
	v13 =	vsub.f32 v14, v13;
	v10 =	vld.idx.msk [tilespmem:v9+s21+$0x0], $0xffff  }
0x16b: {  	v20 =	vld.idx.msk [tilespmem:v8+s20+$0x0], $0xffff;
	v14 =	vadd.s32 s18, v0;
	v6 =	vand.u32 $0x7FFFFFFF, v6;
	v4 =	vand.u32 $0x7FFFFFFF, v4  }
0x16c: {  	v13 =	vand.u32 $0x7FFFFFFF, v13;
	v9 =	vadd.f32 v4, v5;
	v4 =	vsub.f32 v15, v21;
	v21 =	vld.idx.msk [tilespmem:v8+s21+$0x0], $0xffff  }
0x16d: {  	v6 =	vadd.f32 v6, v5;
	v7 =	vadd.f32 v11, v7;
	v11 =	vand.u32 $0x7FFFFFFF, v16;
	v15 =	vld.idx.msk [tilespmem:v8+s22+$0x0], $0xffff  }
0x16e: {  	v8 =	vadd.f32 v11, v5;
	v11 =	vand.u32 $0x3F, v14;
	v17 =	vand.u32 $0x7FFFFFFF, v4;
	v16 =	vld.idx.msk [tilespmem:v23+s20+$0x0], $0xffff  }
0x16f: {  	s6 =	simm.s32 $0x6;
	v12 =	vsub.f32 v7, v12;
	v11 =	vor.u32 v3, v11;
	v18 =	vld.idx.msk [tilespmem:v23+s21+$0x0], $0xffff;
	v10 =	vadd.f32 v10, v22  }
0x170: {  	v4 =	vadd.f32 v13, v5;
	v13 =	vadd.s32 s6, v0;
	v7 =	vadd.f32 v17, v5;
	v17 =	vld.idx.msk [tilespmem:v23+s22+$0x0], $0xffff  }
0x171: {  	v14 =	vld.idx.msk [tilespmem:v23+s25+$0x0], $0xffff;
	v13 =	vand.u32 $0x3F, v13;
	v12 =	vand.u32 $0x7FFFFFFF, v12;
	v22 =	vsub.f32 v10, v19  }
0x172: {  	s18 =	simm.s32 $0x5;
	v13 =	vor.u32 v3, v13;
	v10 =	vadd.f32 v12, v5;
	v19 =	vld.idx.msk [tilespmem:v23+s23+$0x0], $0xffff;
	v21 =	vadd.f32 v21, v20  }
0x173: {  	v20 =	vld.idx.msk [tilespmem:v23+s24+$0x0], $0xffff;
	v23 =	vadd.s32 s18, v0;
	s18 =	simm.s32 $0x8;
	v12 =	vimm.f32 $0.0e+00;
	v22 =	vand.u32 $0x7FFFFFFF, v22  }
.LBB2_11:
0x174: {  	p0 =	sne.s32 s18, $0x3C;
	v23 =	vand.u32 $0x3F, v23;
	v24 =	vld.idx.msk [tilespmem:v11+s25+$0x0], $0xffff;
	v5 =	vadd.f32 v22, v5;
	v15 =	vsub.f32 v21, v15  }
0x175: {  	v16 =	vadd.f32 v18, v16;
	v18 =	vor.u32 v3, v23;
	v21 =	vld.idx.msk [tilespmem:v11+s23+$0x0], $0xffff  }
0x176: {  	v22 =	vld.idx.msk [tilespmem:v11+s24+$0x0], $0xffff;
	v15 =	vand.u32 $0x7FFFFFFF, v15  }
0x177: {  	v16 =	vsub.f32 v16, v17;
	v17 =	vld.idx.msk [tilespmem:v13+s25+$0x0], $0xffff;
	v12 =	vadd.f32 v15, v12  }
0x178: {  	v15 =	vld.idx.msk [tilespmem:v13+s23+$0x0], $0xffff  }
0x179: {  	v16 =	vand.u32 $0x7FFFFFFF, v16;
	v23 =	vld.idx.msk [tilespmem:v13+s24+$0x0], $0xffff  }
0x17a: {  	v6 =	vadd.f32 v16, v6;
	v16 =	vld.idx.msk [tilespmem:v18+s23+$0x0], $0xffff  }
0x17b: {  	v25 =	vld.idx.msk [tilespmem:v18+s24+$0x0], $0xffff  }
0x17c: {  	v26 =	vld.idx.msk [tilespmem:v18+s20+$0x0], $0xffff  }
0x17d: {  	v19 =	vadd.f32 v20, v19;
	v20 =	vld.idx.msk [tilespmem:v18+s25+$0x0], $0xffff  }
0x17e: {  	v27 =	vld.idx.msk [tilespmem:v18+s21+$0x0], $0xffff  }
0x17f: {  	v28 =	vadd.s32 s18, v0;
	v14 =	vsub.f32 v19, v14;
	v18 =	vld.idx.msk [tilespmem:v18+s22+$0x0], $0xffff  }
0x180: {  	v19 =	vand.u32 $0x3F, v28;
	v21 =	vadd.f32 v22, v21;
	v15 =	vadd.f32 v23, v15;
	v28 =	vld.idx.msk [tilespmem:v13+s20+$0x0], $0xffff  }
0x181: {  	v22 =	vor.u32 v3, v19;
	v16 =	vadd.f32 v25, v16;
	v19 =	vld.idx.msk [tilespmem:v13+s21+$0x0], $0xffff  }
0x182: {  	s5 =	sadd.s32 $0x3, s18;
	v14 =	vand.u32 $0x7FFFFFFF, v14;
	v15 =	vsub.f32 v15, v17;
	v17 =	vsub.f32 v21, v24;
	v13 =	vld.idx.msk [tilespmem:v13+s22+$0x0], $0xffff  }
0x183: {  	v9 =	vadd.f32 v14, v9;
	v21 =	vadd.s32 s5, v0;
	v14 =	vsub.f32 v16, v20;
	v20 =	vld.idx.msk [tilespmem:v11+s20+$0x0], $0xffff  }
0x184: {  	v15 =	vand.u32 $0x7FFFFFFF, v15;
	v16 =	vand.u32 $0x7FFFFFFF, v17;
	v23 =	vadd.f32 v27, v26;
	v24 =	vld.idx.msk [tilespmem:v11+s21+$0x0], $0xffff  }
0x185: {  	v8 =	vadd.f32 v15, v8;
	v4 =	vadd.f32 v16, v4;
	v14 =	vand.u32 $0x7FFFFFFF, v14;
	v15 =	vld.idx.msk [tilespmem:v11+s22+$0x0], $0xffff  }
0x186: {  	v11 =	vand.u32 $0x3F, v21;
	v21 =	vsub.f32 v23, v18;
	v7 =	vadd.f32 v14, v7;
	v16 =	vld.idx.msk [tilespmem:v22+s20+$0x0], $0xffff  }
.Ltmp4:
0x187: {  	s5 =	sadd.s32 $0x2, s18;
	v11 =	vor.u32 v3, v11;
	v19 =	vadd.f32 v19, v28;
	v18 =	vld.idx.msk [tilespmem:v22+s21+$0x0], $0xffff;
	(pc) =	sbr.rel @p0 .LBB2_11-.Ltmp4, $4  }
0x188: {  	v23 =	vadd.s32 s5, v0;
	v21 =	vand.u32 $0x7FFFFFFF, v21;
	v17 =	vld.idx.msk [tilespmem:v22+s22+$0x0], $0xffff  }
0x189: {  	v23 =	vand.u32 $0x3F, v23;
	v10 =	vadd.f32 v21, v10;
	v25 =	vsub.f32 v19, v13;
	v14 =	vld.idx.msk [tilespmem:v22+s25+$0x0], $0xffff  }
0x18a: {  	s5 =	sadd.s32 $0x1, s18;
	v13 =	vor.u32 v3, v23;
	v21 =	vadd.f32 v24, v20;
	v19 =	vld.idx.msk [tilespmem:v22+s23+$0x0], $0xffff  }
0x18b: {  	s18 =	sadd.s32 $0x4, s18;
	v23 =	vadd.s32 s5, v0;
	v20 =	vld.idx.msk [tilespmem:v22+s24+$0x0], $0xffff;
	v22 =	vand.u32 $0x7FFFFFFF, v25  }
0x18c: {  	_ =	sdelay $0x3  }
0x18d: {  	v24 =	vld.idx.msk [tilespmem:v11+s25+$0x0], $0xffff  }
0x18e: {  	v47 =	vld.idx.msk [tilespmem:v11+s23+$0x0], $0xffff  }
0x18f: {  	v25 =	vld.idx.msk [tilespmem:v11+s24+$0x0], $0xffff  }
0x190: {  	v26 =	vld.idx.msk [tilespmem:v13+s25+$0x0], $0xffff  }
0x191: {  	v27 =	vld.idx.msk [tilespmem:v13+s23+$0x0], $0xffff  }
0x192: {  	v28 =	vld.idx.msk [tilespmem:v13+s24+$0x0], $0xffff  }
0x193: {  	v23 =	vand.u32 $0x3F, v23;
	v48 =	vld.idx.msk [tilespmem:v13+s20+$0x0], $0xffff  }
0x194: {  	v49 =	vld.idx.msk [tilespmem:v13+s21+$0x0], $0xffff;
	v3 =	vor.u32 v3, v23  }
0x195: {  	v50 =	vld.idx.msk [tilespmem:v11+s20+$0x0], $0xffff  }
0x196: {  	v51 =	vld.idx.msk [tilespmem:v11+s21+$0x0], $0xffff  }
0x197: {  	v54 =	vld.idx.msk [tilespmem:v13+s22+$0x0], $0xffff  }
0x198: {  	v15 =	vsub.f32 v21, v15;
	v16 =	vadd.f32 v18, v16;
	v56 =	vld.idx.msk [tilespmem:v11+s22+$0x0], $0xffff  }
0x199: {  	v29 =	vld.idx.msk [tilespmem:v3+s23+$0x0], $0xffff  }
0x19a: {  	v5 =	vadd.f32 v22, v5;
	v15 =	vand.u32 $0x7FFFFFFF, v15;
	v16 =	vsub.f32 v16, v17;
	v30 =	vld.idx.msk [tilespmem:v3+s24+$0x0], $0xffff  }
0x19b: {  	v12 =	vadd.f32 v15, v12;
	v19 =	vadd.f32 v20, v19;
	v31 =	vld.idx.msk [tilespmem:v3+s20+$0x0], $0xffff  }
0x19c: {  	v16 =	vand.u32 $0x7FFFFFFF, v16;
	v52 =	vadd.f32 v28, v27;
	v53 =	vadd.f32 v25, v47;
	v33 =	vld.idx.msk [tilespmem:v3+s21+$0x0], $0xffff  }
0x19d: {  	v6 =	vadd.f32 v16, v6;
	v18 =	vadd.f32 v49, v48;
	v32 =	vld.idx.msk [tilespmem:v3+s25+$0x0], $0xffff  }
0x19e: {  	v15 =	vadd.f32 v51, v50;
	v3 =	vld.idx.msk [tilespmem:v3+s22+$0x0], $0xffff;
	v14 =	vsub.f32 v19, v14  }
0x19f: {  	v19 =	vsub.f32 v52, v26;
	v21 =	vsub.f32 v53, v24  }
0x1a0: {  	v13 =	vsub.f32 v18, v54;
	v11 =	vsub.f32 v15, v56;
	v14 =	vand.u32 $0x7FFFFFFF, v14  }
0x1a1: {  	v58 =	vand.u32 $0x7FFFFFFF, v19;
	v55 =	vadd.f32 v30, v29;
	v57 =	vadd.f32 v33, v31  }
0x1a2: {  	v9 =	vadd.f32 v14, v9;
	v60 =	vand.u32 $0x7FFFFFFF, v13;
	v8 =	vadd.f32 v58, v8  }
0x1a3: {  	v11 =	vand.u32 $0x7FFFFFFF, v11;
	v16 =	vsub.f32 v55, v32;
	v3 =	vsub.f32 v57, v3  }
0x1a4: {  	v59 =	vand.u32 $0x7FFFFFFF, v21;
	v5 =	vadd.f32 v60, v5;
	v62 =	vadd.f32 v11, v12  }
0x1a5: {  	v4 =	vadd.f32 v59, v4;
	v3 =	vand.u32 $0x7FFFFFFF, v3;
	v61 =	vand.u32 $0x7FFFFFFF, v16  }
0x1a6: {  	v3 =	vadd.f32 v3, v10;
	v7 =	vadd.f32 v61, v7  }
0x1a7: {  	v5 =	vadd.f32 v62, v5;
	v4 =	vadd.f32 v4, v8  }
0x1a8: {  	v3 =	vadd.f32 v3, v6;
	v63 =	vadd.f32 v7, v9;
	_ =	sdelay $0x1  }
0x1a9: {  	v3 =	vadd.f32 v5, v3;
	v4 =	vadd.f32 v4, v63  }
0x1aa: {  	s17 =	sadd.s32 $0x1, s17  }
0x1ab: {  	p0 =	sne.s32 s17, $0x8;
	v3 =	vsub.f32 v3, v4  }
.Ltmp5:
0x1ac: {  	_ = 	snop;
	(pc) =	sbr.rel @p0 .LBB2_10-.Ltmp5, $3  }
0x1ad: {  	v3 =	vadd.f32 $1.000000000e+00, v3;
	_ =	sdelay $0x1  }
0x1ae: {  	v3 =	vmax.f32 v3, $0.0e+00  }
0x1af: {  	v2 =	vadd.f32 v3, v2  }
0x1b0: {  	_ =	swait.ge [sflag:s14], $0x2000  }
0x1b1: {  	[sflag:s14] =	ssyncset.done $0x0  }
0x1b2: {  	[sflag:s14] =	ssyncadd.s32 $0xFFFFE000  }
0x1b3: {  	_ =	swait.ge [sflag:s14], $0x2000  }
0x1b4: {  	[sflag:s14] =	ssyncset.done $0x0  }
0x1b5: {  	[sflag:s14] =	ssyncadd.s32 $0xFFFFE000  }
0x1b6: {  	_ =	swait.ge [sflag:s14], $0x2000  }
0x1b7: {  	[sflag:s14] =	ssyncset.done $0x0  }
0x1b8: {  	[sflag:s14] =	ssyncadd.s32 $0xFFFFE000  }
0x1b9: {  	_ =	swait.ge [sflag:s14], $0x2000  }
0x1ba: {  	[sflag:s14] =	ssyncset.done $0x0  }
0x1bb: {  	[sflag:s14] =	ssyncadd.s32 $0xFFFFE000  }
0x1bc: {  	_ =	swait.ge [sflag:s14], $0x2000  }
0x1bd: {  	[sflag:s14] =	ssyncset.done $0x0  }
0x1be: {  	[sflag:s14] =	ssyncadd.s32 $0xFFFFE000  }
0x1bf: {  	_ =	swait.ge [sflag:s14], $0x2000  }
0x1c0: {  	[sflag:s14] =	ssyncset.done $0x0  }
0x1c1: {  	s16 =	simm.s32 $0x0;
	s17 =	simm.s32 $0x0;
	[sflag:s14] =	ssyncadd.s32 $0xFFFFE000  }
.LBB2_14:
0x1c2: {  	s5 =	sshll.u32 s17, $0x4  }
0x1c3: {  	v3 =	vmov s5  }
0x1c4: {  	v4 =	vadd.s32 s16, v0;
	v3 =	vshll.u32 v3, $0x6  }
0x1c5: {  	v4 =	vand.u32 $0x3F, v4;
	v3 =	vor.u32 v1, v3  }
0x1c6: {  	v4 =	vor.u32 v3, v4;
	_ =	sdelay $0x2  }
0x1c7: {  	s18 =	simm.s32 $0x3  }
0x1c8: {  	v5 =	vadd.s32 s18, v0  }
0x1c9: {  	v5 =	vand.u32 $0x3F, v5;
	v6 =	vld.idx.msk [tilespmem:v4+s28+$0x0], $0xffff  }
0x1ca: {  	s6 =	simm.s32 $0x2;
	v8 =	vor.u32 v3, v5;
	v7 =	vld.idx.msk [tilespmem:v4+s30+$0x0], $0xffff  }
0x1cb: {  	v9 =	vadd.s32 s6, v0;
	v5 =	vld.idx.msk [tilespmem:v4+s0+$0x0], $0xffff  }
0x1cc: {  	v9 =	vand.u32 $0x3F, v9;
	v10 =	vld.idx.msk [tilespmem:v4+s31+$0x0], $0xffff  }
0x1cd: {  	s18 =	simm.s32 $0x1;
	v9 =	vor.u32 v3, v9;
	v11 =	vld.idx.msk [tilespmem:v4+s29+$0x0], $0xffff  }
0x1ce: {  	v12 =	vadd.s32 s18, v0;
	v4 =	vld.idx.msk [tilespmem:v4+s1+$0x0], $0xffff  }
0x1cf: {  	v12 =	vand.u32 $0x3F, v12;
	v13 =	vld.idx.msk [tilespmem:v8+s31+$0x0], $0xffff  }
0x1d0: {  	v12 =	vor.u32 v3, v12;
	v14 =	vld.idx.msk [tilespmem:v8+s29+$0x0], $0xffff  }
0x1d1: {  	v15 =	vld.idx.msk [tilespmem:v8+s1+$0x0], $0xffff  }
0x1d2: {  	v16 =	vld.idx.msk [tilespmem:v9+s31+$0x0], $0xffff  }
0x1d3: {  	v17 =	vld.idx.msk [tilespmem:v9+s29+$0x0], $0xffff  }
0x1d4: {  	v18 =	vld.idx.msk [tilespmem:v9+s1+$0x0], $0xffff  }
0x1d5: {  	v19 =	vld.idx.msk [tilespmem:v12+s29+$0x0], $0xffff  }
0x1d6: {  	v20 =	vld.idx.msk [tilespmem:v12+s1+$0x0], $0xffff  }
0x1d7: {  	v21 =	vld.idx.msk [tilespmem:v12+s31+$0x0], $0xffff  }
0x1d8: {  	v6 =	vadd.f32 v7, v6;
	v7 =	vld.idx.msk [tilespmem:v12+s28+$0x0], $0xffff  }
0x1d9: {  	s6 =	simm.s32 $0x4;
	v4 =	vadd.f32 v4, v11;
	v11 =	vld.idx.msk [tilespmem:v12+s30+$0x0], $0xffff  }
0x1da: {  	v22 =	vadd.s32 s6, v0;
	v12 =	vld.idx.msk [tilespmem:v12+s0+$0x0], $0xffff;
	v17 =	vadd.f32 v18, v17;
	v14 =	vadd.f32 v15, v14  }
0x1db: {  	v15 =	vadd.f32 v20, v19;
	v19 =	vld.idx.msk [tilespmem:v9+s0+$0x0], $0xffff;
	v4 =	vsub.f32 v4, v10;
	v10 =	vand.u32 $0x3F, v22  }
0x1dc: {  	v6 =	vsub.f32 v6, v5;
	v22 =	vld.idx.msk [tilespmem:v9+s28+$0x0], $0xffff;
	v23 =	vor.u32 v3, v10  }
0x1dd: {  	s18 =	simm.s32 $0x7;
	v5 =	vimm.f32 $0.0e+00;
	v16 =	vsub.f32 v17, v16;
	v13 =	vsub.f32 v14, v13;
	v10 =	vld.idx.msk [tilespmem:v9+s30+$0x0], $0xffff  }
0x1de: {  	v20 =	vld.idx.msk [tilespmem:v8+s28+$0x0], $0xffff;
	v14 =	vadd.s32 s18, v0;
	v6 =	vand.u32 $0x7FFFFFFF, v6;
	v4 =	vand.u32 $0x7FFFFFFF, v4  }
0x1df: {  	v13 =	vand.u32 $0x7FFFFFFF, v13;
	v9 =	vadd.f32 v4, v5;
	v4 =	vsub.f32 v15, v21;
	v21 =	vld.idx.msk [tilespmem:v8+s30+$0x0], $0xffff  }
0x1e0: {  	v6 =	vadd.f32 v6, v5;
	v7 =	vadd.f32 v11, v7;
	v11 =	vand.u32 $0x7FFFFFFF, v16;
	v15 =	vld.idx.msk [tilespmem:v8+s0+$0x0], $0xffff  }
0x1e1: {  	v8 =	vadd.f32 v11, v5;
	v11 =	vand.u32 $0x3F, v14;
	v17 =	vand.u32 $0x7FFFFFFF, v4;
	v16 =	vld.idx.msk [tilespmem:v23+s28+$0x0], $0xffff  }
0x1e2: {  	s6 =	simm.s32 $0x6;
	v12 =	vsub.f32 v7, v12;
	v11 =	vor.u32 v3, v11;
	v18 =	vld.idx.msk [tilespmem:v23+s30+$0x0], $0xffff;
	v10 =	vadd.f32 v10, v22  }
0x1e3: {  	v4 =	vadd.f32 v13, v5;
	v13 =	vadd.s32 s6, v0;
	v7 =	vadd.f32 v17, v5;
	v17 =	vld.idx.msk [tilespmem:v23+s0+$0x0], $0xffff  }
0x1e4: {  	v14 =	vld.idx.msk [tilespmem:v23+s31+$0x0], $0xffff;
	v13 =	vand.u32 $0x3F, v13;
	v12 =	vand.u32 $0x7FFFFFFF, v12;
	v22 =	vsub.f32 v10, v19  }
0x1e5: {  	s18 =	simm.s32 $0x5;
	v13 =	vor.u32 v3, v13;
	v10 =	vadd.f32 v12, v5;
	v19 =	vld.idx.msk [tilespmem:v23+s29+$0x0], $0xffff;
	v21 =	vadd.f32 v21, v20  }
0x1e6: {  	v20 =	vld.idx.msk [tilespmem:v23+s1+$0x0], $0xffff;
	v23 =	vadd.s32 s18, v0;
	s18 =	simm.s32 $0x8;
	v12 =	vimm.f32 $0.0e+00;
	v22 =	vand.u32 $0x7FFFFFFF, v22  }
.LBB2_15:
0x1e7: {  	p0 =	sne.s32 s18, $0x3C;
	v23 =	vand.u32 $0x3F, v23;
	v24 =	vld.idx.msk [tilespmem:v11+s31+$0x0], $0xffff;
	v5 =	vadd.f32 v22, v5;
	v15 =	vsub.f32 v21, v15  }
0x1e8: {  	v16 =	vadd.f32 v18, v16;
	v18 =	vor.u32 v3, v23;
	v21 =	vld.idx.msk [tilespmem:v11+s29+$0x0], $0xffff  }
0x1e9: {  	v22 =	vld.idx.msk [tilespmem:v11+s1+$0x0], $0xffff;
	v15 =	vand.u32 $0x7FFFFFFF, v15  }
0x1ea: {  	v16 =	vsub.f32 v16, v17;
	v17 =	vld.idx.msk [tilespmem:v13+s31+$0x0], $0xffff;
	v12 =	vadd.f32 v15, v12  }
0x1eb: {  	v15 =	vld.idx.msk [tilespmem:v13+s29+$0x0], $0xffff  }
0x1ec: {  	v16 =	vand.u32 $0x7FFFFFFF, v16;
	v23 =	vld.idx.msk [tilespmem:v13+s1+$0x0], $0xffff  }
0x1ed: {  	v6 =	vadd.f32 v16, v6;
	v16 =	vld.idx.msk [tilespmem:v18+s29+$0x0], $0xffff  }
0x1ee: {  	v25 =	vld.idx.msk [tilespmem:v18+s1+$0x0], $0xffff  }
0x1ef: {  	v26 =	vld.idx.msk [tilespmem:v18+s28+$0x0], $0xffff  }
0x1f0: {  	v19 =	vadd.f32 v20, v19;
	v20 =	vld.idx.msk [tilespmem:v18+s31+$0x0], $0xffff  }
0x1f1: {  	v27 =	vld.idx.msk [tilespmem:v18+s30+$0x0], $0xffff  }
0x1f2: {  	v28 =	vadd.s32 s18, v0;
	v14 =	vsub.f32 v19, v14;
	v18 =	vld.idx.msk [tilespmem:v18+s0+$0x0], $0xffff  }
0x1f3: {  	v19 =	vand.u32 $0x3F, v28;
	v21 =	vadd.f32 v22, v21;
	v15 =	vadd.f32 v23, v15;
	v28 =	vld.idx.msk [tilespmem:v13+s28+$0x0], $0xffff  }
0x1f4: {  	v22 =	vor.u32 v3, v19;
	v16 =	vadd.f32 v25, v16;
	v19 =	vld.idx.msk [tilespmem:v13+s30+$0x0], $0xffff  }
0x1f5: {  	s5 =	sadd.s32 $0x3, s18;
	v14 =	vand.u32 $0x7FFFFFFF, v14;
	v15 =	vsub.f32 v15, v17;
	v17 =	vsub.f32 v21, v24;
	v13 =	vld.idx.msk [tilespmem:v13+s0+$0x0], $0xffff  }
0x1f6: {  	v9 =	vadd.f32 v14, v9;
	v21 =	vadd.s32 s5, v0;
	v14 =	vsub.f32 v16, v20;
	v20 =	vld.idx.msk [tilespmem:v11+s28+$0x0], $0xffff  }
0x1f7: {  	v15 =	vand.u32 $0x7FFFFFFF, v15;
	v16 =	vand.u32 $0x7FFFFFFF, v17;
	v23 =	vadd.f32 v27, v26;
	v24 =	vld.idx.msk [tilespmem:v11+s30+$0x0], $0xffff  }
0x1f8: {  	v8 =	vadd.f32 v15, v8;
	v4 =	vadd.f32 v16, v4;
	v14 =	vand.u32 $0x7FFFFFFF, v14;
	v15 =	vld.idx.msk [tilespmem:v11+s0+$0x0], $0xffff  }
0x1f9: {  	v11 =	vand.u32 $0x3F, v21;
	v21 =	vsub.f32 v23, v18;
	v7 =	vadd.f32 v14, v7;
	v16 =	vld.idx.msk [tilespmem:v22+s28+$0x0], $0xffff  }
.Ltmp6:
0x1fa: {  	s5 =	sadd.s32 $0x2, s18;
	v11 =	vor.u32 v3, v11;
	v19 =	vadd.f32 v19, v28;
	v18 =	vld.idx.msk [tilespmem:v22+s30+$0x0], $0xffff;
	(pc) =	sbr.rel @p0 .LBB2_15-.Ltmp6, $4  }
0x1fb: {  	v23 =	vadd.s32 s5, v0;
	v21 =	vand.u32 $0x7FFFFFFF, v21;
	v17 =	vld.idx.msk [tilespmem:v22+s0+$0x0], $0xffff  }
0x1fc: {  	v23 =	vand.u32 $0x3F, v23;
	v10 =	vadd.f32 v21, v10;
	v25 =	vsub.f32 v19, v13;
	v14 =	vld.idx.msk [tilespmem:v22+s31+$0x0], $0xffff  }
0x1fd: {  	s5 =	sadd.s32 $0x1, s18;
	v13 =	vor.u32 v3, v23;
	v21 =	vadd.f32 v24, v20;
	v19 =	vld.idx.msk [tilespmem:v22+s29+$0x0], $0xffff  }
0x1fe: {  	s18 =	sadd.s32 $0x4, s18;
	v23 =	vadd.s32 s5, v0;
	v20 =	vld.idx.msk [tilespmem:v22+s1+$0x0], $0xffff;
	v22 =	vand.u32 $0x7FFFFFFF, v25  }
0x1ff: {  	_ =	sdelay $0x3  }
0x200: {  	v24 =	vld.idx.msk [tilespmem:v11+s31+$0x0], $0xffff  }
0x201: {  	v47 =	vld.idx.msk [tilespmem:v11+s29+$0x0], $0xffff  }
0x202: {  	v25 =	vld.idx.msk [tilespmem:v11+s1+$0x0], $0xffff  }
0x203: {  	v26 =	vld.idx.msk [tilespmem:v13+s31+$0x0], $0xffff  }
0x204: {  	v27 =	vld.idx.msk [tilespmem:v13+s29+$0x0], $0xffff  }
0x205: {  	v28 =	vld.idx.msk [tilespmem:v13+s1+$0x0], $0xffff  }
0x206: {  	v23 =	vand.u32 $0x3F, v23;
	v48 =	vld.idx.msk [tilespmem:v13+s28+$0x0], $0xffff  }
0x207: {  	v49 =	vld.idx.msk [tilespmem:v13+s30+$0x0], $0xffff;
	v3 =	vor.u32 v3, v23  }
0x208: {  	v50 =	vld.idx.msk [tilespmem:v11+s28+$0x0], $0xffff  }
0x209: {  	v51 =	vld.idx.msk [tilespmem:v11+s30+$0x0], $0xffff  }
0x20a: {  	v54 =	vld.idx.msk [tilespmem:v13+s0+$0x0], $0xffff  }
0x20b: {  	v15 =	vsub.f32 v21, v15;
	v16 =	vadd.f32 v18, v16;
	v56 =	vld.idx.msk [tilespmem:v11+s0+$0x0], $0xffff  }
0x20c: {  	v29 =	vld.idx.msk [tilespmem:v3+s29+$0x0], $0xffff  }
0x20d: {  	v5 =	vadd.f32 v22, v5;
	v15 =	vand.u32 $0x7FFFFFFF, v15;
	v16 =	vsub.f32 v16, v17;
	v30 =	vld.idx.msk [tilespmem:v3+s1+$0x0], $0xffff  }
0x20e: {  	v12 =	vadd.f32 v15, v12;
	v19 =	vadd.f32 v20, v19;
	v31 =	vld.idx.msk [tilespmem:v3+s28+$0x0], $0xffff  }
0x20f: {  	v16 =	vand.u32 $0x7FFFFFFF, v16;
	v52 =	vadd.f32 v28, v27;
	v53 =	vadd.f32 v25, v47;
	v33 =	vld.idx.msk [tilespmem:v3+s30+$0x0], $0xffff  }
0x210: {  	v6 =	vadd.f32 v16, v6;
	v18 =	vadd.f32 v49, v48;
	v32 =	vld.idx.msk [tilespmem:v3+s31+$0x0], $0xffff  }
0x211: {  	v15 =	vadd.f32 v51, v50;
	v3 =	vld.idx.msk [tilespmem:v3+s0+$0x0], $0xffff;
	v14 =	vsub.f32 v19, v14  }
0x212: {  	v19 =	vsub.f32 v52, v26;
	v21 =	vsub.f32 v53, v24  }
0x213: {  	v13 =	vsub.f32 v18, v54;
	v11 =	vsub.f32 v15, v56;
	v14 =	vand.u32 $0x7FFFFFFF, v14  }
0x214: {  	v58 =	vand.u32 $0x7FFFFFFF, v19;
	v55 =	vadd.f32 v30, v29;
	v57 =	vadd.f32 v33, v31  }
0x215: {  	v9 =	vadd.f32 v14, v9;
	v60 =	vand.u32 $0x7FFFFFFF, v13;
	v8 =	vadd.f32 v58, v8  }
0x216: {  	v11 =	vand.u32 $0x7FFFFFFF, v11;
	v16 =	vsub.f32 v55, v32;
	v3 =	vsub.f32 v57, v3  }
0x217: {  	v59 =	vand.u32 $0x7FFFFFFF, v21;
	v5 =	vadd.f32 v60, v5;
	v62 =	vadd.f32 v11, v12  }
0x218: {  	v4 =	vadd.f32 v59, v4;
	v3 =	vand.u32 $0x7FFFFFFF, v3;
	v61 =	vand.u32 $0x7FFFFFFF, v16  }
0x219: {  	v3 =	vadd.f32 v3, v10;
	v7 =	vadd.f32 v61, v7  }
0x21a: {  	v5 =	vadd.f32 v62, v5;
	v4 =	vadd.f32 v4, v8  }
0x21b: {  	v3 =	vadd.f32 v3, v6;
	v63 =	vadd.f32 v7, v9;
	_ =	sdelay $0x1  }
0x21c: {  	v3 =	vadd.f32 v5, v3;
	v4 =	vadd.f32 v4, v63  }
0x21d: {  	s17 =	sadd.s32 $0x1, s17  }
0x21e: {  	p0 =	sne.s32 s17, $0x8;
	v3 =	vsub.f32 v3, v4  }
.Ltmp7:
0x21f: {  	_ = 	snop;
	(pc) =	sbr.rel @p0 .LBB2_14-.Ltmp7, $3  }
0x220: {  	v3 =	vadd.f32 $1.000000000e+00, v3;
	_ =	sdelay $0x1  }
0x221: {  	v3 =	vmax.f32 v3, $0.0e+00  }
0x222: {  	v2 =	vadd.f32 v3, v2  }
0x223: {  	_ = 	snop  }
0x224: {  	s15 =	sadd.s32 $0x1, s15;
	v2 =	vmul.f32 $6.103515630e-05, v2  }
0x225: {  	p0 =	sne.s32 s15, s12  }
.Ltmp8:
0x226: {  	s5 =	simm.s32 $0x18C00;
	[tilespmem:$0x18C00] =	vst v2;
	(pc) =	sbr.rel @p0 .LBB2_1-.Ltmp8, $4  }
0x227: {  	[hbm4b:s11+s2] =	stream.linear.scatter [tilespmem:s5], [sflag:$0x3], $0x10, $0x38;
	[tilespmem:$0x18C10] =	vst v63  }
0x228: {  	_ =	swait.ge [sflag:s13], $0x10  }
0x229: {  	[sflag:s13] =	ssyncset.done $0x0  }
0x22a: {  	[sflag:s13] =	ssyncadd.s32 $0xFFFFFFF0  }
0x22b: {  	_ =	sfence.sel $0x180000  }
0x22c: {  	[bflag:$0x0] =	sbarrier.arrive $0xFFFF  }
0x22d: {  	_ =	strace $0x90000047  }
0x22e: {  	s0 =	stileid.u32;
	[bflag:$0x2] =	sbarrier.arrive $0xFFFF  }
0x22f: {  	p0 =	sne.s32 s0, $0x0;
	s0 =	rddreg [dreg:$0x1]  }
0x230: {  	s0 =	sadd.s32 @!p0 $0x100000, s0  }
0x231: {  	[sflag:s0] =	ssyncadd.tile.s32 @!p0 $0x1;
	_ =	shalt  }
.Lfunc_end2:
_tile_overlayer_lowered:
.L_overlay_start_2:
0x232: {  	(tag) =	ssettag $0x2  }
0x233: {  	s0 =	rddreg [dreg:$0x0];
	s2 =	stileid.u32  }
0x234: {  	s1 =	rddreg [dreg:$0x1];
	p0 =	sne.s32 s2, $0x0  }
0x235: {  	s3 =	rddreg [dreg:$0x2];
	[bflag:$0x3] =	sbarrier.arrive $0xFFFF;
	s2 =	simm.s32 @!p0 $0x1C03  }
0x236: {  	[timem:s3], [sflag:s2] =	dma.local @!p0 [hbm:s0], s1  }
0x237: {  	s0 =	simm.s32 @!p0 $0x3  }
0x238: {  	_ =	swait.ge @!p0 [sflag:s0], s1  }
0x239: {  	s1 =	ssub.s32 @!p0 $0x0, s1;
	[sflag:s0] =	ssyncset.done @!p0 $0x0  }
0x23a: {  	[sflag:s0] =	ssyncadd.s32 @!p0 s1  }
0x23b: {  	[bflag:$0x3] =	sbarrier.arrive $0xFFFF  }
0x23c: {  	_ =	shalt  }

</sc_bundles>
